<compile_context>
chip_gen: v7x
topology: tpu7x:2x2x1
jax: 0.10.2.dev20260603
libtpu: 0.0.44.dev20260713+nightly
codegen_flags: <defaults>
</compile_context>

<pallas_src>
import functools

import jax
import jax.numpy as jnp
import numpy as np
from jax import lax
from jax.experimental import pallas as pl
from jax.experimental.pallas import tpu as pltpu
from jax.experimental.pallas import tpu_sc as plsc

TOP_RATIO, MIN_PATCHES, RANDOM_RATIO = 0.7, 128, 0.1

_LANES = 16
_ROW_BLK = 1024
_GCHUNK = 64
_NWORKERS = 32


def _compute_sizes(n):
    k = min(max(int(n * TOP_RATIO), MIN_PATCHES), n)
    n_rand = max(int(k * RANDOM_RATIO), 1)
    return k, k - n_rand, n_rand


def _rand_tables(batch, n_nontop, n_rand, pad):
    rows = []
    for b in range(batch):
        perm = jax.random.permutation(
            jax.random.fold_in(jax.random.key(42), b), n_nontop)[:n_rand]
        rows.append(jnp.zeros((pad,), jnp.int32).at[perm].set(1))
    return jnp.stack(rows)


def _scores_body(x_ref, wv_ref, bv_ref, wu_ref, bu_ref, wa_ref, ba_ref, o_ref):
    x16 = x_ref[...].astype(jnp.bfloat16)
    a_v = jnp.tanh(jnp.dot(x16, wv_ref[...].astype(jnp.bfloat16),
                           preferred_element_type=jnp.float32) + bv_ref[...])
    a_u = jax.nn.sigmoid(jnp.dot(x16, wu_ref[...].astype(jnp.bfloat16),
                                 preferred_element_type=jnp.float32) + bu_ref[...])
    g16 = (a_v * a_u).astype(jnp.bfloat16)
    wa16 = wa_ref[...].astype(jnp.bfloat16)
    prod = g16.astype(jnp.float32) * wa16.astype(jnp.float32)
    o_ref[...] = jnp.sum(prod, axis=-1, keepdims=True) + ba_ref[...]


def _scores(features2d, Wv, bv, Wu, bu, w_att, b_att):
    bn, d = features2d.shape
    h = Wv.shape[1]
    grid = (bn // _ROW_BLK,)
    return pl.pallas_call(
        _scores_body,
        grid=grid,
        in_specs=[
            pl.BlockSpec((_ROW_BLK, d), lambda i: (i, 0)),
            pl.BlockSpec((d, h), lambda i: (0, 0)),
            pl.BlockSpec((1, h), lambda i: (0, 0)),
            pl.BlockSpec((d, h), lambda i: (0, 0)),
            pl.BlockSpec((1, h), lambda i: (0, 0)),
            pl.BlockSpec((1, h), lambda i: (0, 0)),
            pl.BlockSpec((1, 1), lambda i: (0, 0)),
        ],
        out_specs=pl.BlockSpec((_ROW_BLK, 1), lambda i: (i, 0)),
        out_shape=jax.ShapeDtypeStruct((bn, 1), jnp.float32),
    )(features2d, Wv, bv.reshape(1, h), Wu, bu.reshape(1, h),
      w_att.reshape(1, h), b_att.reshape(1, 1))


def _select_body(n_top, raw_ref, attn_ref, skey_ref, params_ref):
    raw = raw_ref[...]
    b = raw.shape[0]
    m = jnp.max(raw, axis=-1, keepdims=True)
    e = jnp.exp(raw - m)
    s = jnp.sum(e, axis=-1, keepdims=True)
    attn = e / s
    attn_ref[...] = attn

    u = lax.bitcast_convert_type(attn, jnp.uint32)
    sign = jnp.uint32(0x80000000)
    u = jnp.where(u >= sign, ~u, u | sign)

    def bit_step(t, p):
        sh = jnp.uint32(31) - t.astype(jnp.uint32)
        cand = p | (jnp.uint32(1) << sh)
        cnt = jnp.sum((u >= cand).astype(jnp.int32), axis=-1, keepdims=True)
        return jnp.where(cnt >= n_top, cand, p)

    p = lax.fori_loop(0, 32, bit_step, jnp.zeros((b, 1), jnp.uint32))
    n_greater = jnp.sum((u > p).astype(jnp.int32), axis=-1, keepdims=True)
    quota = jnp.full((b, 1), n_top, jnp.int32) - n_greater
    skey_ref[...] = lax.bitcast_convert_type(u ^ sign, jnp.int32)
    p_i = lax.bitcast_convert_type(p ^ sign, jnp.int32)
    params_ref[...] = jnp.concatenate(
        [p_i, quota, jnp.zeros((b, _LANES - 2), jnp.int32)], axis=1)


def _select(raw, n_top):
    b, n = raw.shape
    return pl.pallas_call(
        functools.partial(_select_body, n_top),
        out_shape=(
            jax.ShapeDtypeStruct((b, n), jnp.float32),
            jax.ShapeDtypeStruct((b, n), jnp.int32),
            jax.ShapeDtypeStruct((b, _LANES), jnp.int32),
        ),
    )(raw)


def _sc_compact(skey, params, rand_t, n, k, k_pad):
    b = skey.shape[0]
    rt_pad = rand_t.shape[1]
    mesh = plsc.VectorSubcoreMesh(core_axis_name="c", subcore_axis_name="s")

    @functools.partial(
        pl.kernel,
        mesh=mesh,
        out_type=(
            jax.ShapeDtypeStruct((b, k_pad), jnp.int32),
            jax.ShapeDtypeStruct((b * k_pad,), jnp.int32),
        ),
        compiler_params=pltpu.CompilerParams(needs_layout_passes=False),
        scratch_types=[
            pltpu.VMEM((n,), jnp.int32),
            pltpu.VMEM((rt_pad,), jnp.int32),
            pltpu.VMEM((_LANES,), jnp.int32),
            pltpu.VMEM((k_pad + _LANES,), jnp.int32),
            pltpu.VMEM((k_pad + _LANES,), jnp.int32),
        ],
    )
    def run(skey_hbm, params_hbm, rand_hbm, idx_hbm, gid_hbm,
            skey_v, rand_v, prm_v, sel_v, gid_v):
        wid = lax.axis_index("s") * 2 + lax.axis_index("c")

        @pl.when(wid < b)
        def _():
            pltpu.sync_copy(skey_hbm.at[wid], skey_v)
            pltpu.sync_copy(rand_hbm.at[wid], rand_v)
            pltpu.sync_copy(params_hbm.at[wid], prm_v)
            prm = prm_v[...]
            p_s = prm[0]
            quota = prm[1]
            b_n = wid * n
            for pad_base in range(k // _LANES * _LANES, k_pad, _LANES):
                sel_v[pl.ds(pad_base, _LANES)] = jnp.zeros((_LANES,), jnp.int32)
                gid_v[pl.ds(pad_base, _LANES)] = jnp.full((_LANES,), b_n, jnp.int32)

            def chunk(i, carry):
                off, rank_nt, tie_cnt = carry
                base = i * _LANES
                skv = skey_v[pl.ds(base, _LANES)]
                greater = skv > p_s
                tie = skv == p_s
                one, zero = jnp.int32(1), jnp.int32(0)
                ti = jnp.where(tie, one, zero)
                texcl = plsc.cumsum(ti) - ti
                tie_take = tie & ((texcl + tie_cnt) < quota)
                chosen = greater | tie_take
                nt = jnp.logical_not(chosen)
                nti = jnp.where(nt, one, zero)
                nexcl = plsc.cumsum(nti) - nti
                ridx = jnp.where(nt, rank_nt + nexcl, 0)
                rv = plsc.load_gather(rand_v, [ridx], mask=nt)
                sel = chosen | (nt & (rv > 0))
                ivals = base + lax.iota(jnp.int32, _LANES)
                plsc.store_compressed(sel_v.at[pl.ds(off, _LANES)], ivals, mask=sel)
                plsc.store_compressed(gid_v.at[pl.ds(off, _LANES)], ivals + b_n, mask=sel)
                n_sel = plsc.all_reduce_population_count(sel)[0]
                n_nt = plsc.all_reduce_population_count(nt)[0]
                n_tie = plsc.all_reduce_population_count(tie)[0]
                return off + n_sel, rank_nt + n_nt, tie_cnt + n_tie

            lax.fori_loop(0, n // _LANES, chunk,
                          (jnp.int32(0), jnp.int32(0), jnp.int32(0)))
            pltpu.sync_copy(sel_v.at[pl.ds(0, k_pad)], idx_hbm.at[wid])
            pltpu.sync_copy(gid_v.at[pl.ds(0, k_pad)],
                            gid_hbm.at[pl.ds(wid * k_pad, k_pad)])

    return run(skey, params, rand_t)


def _sc_gather(features2d, gid):
    m = gid.shape[0]
    d = features2d.shape[1]
    n_chunks = m // _GCHUNK
    per = -(-n_chunks // _NWORKERS)
    mesh = plsc.VectorSubcoreMesh(core_axis_name="c", subcore_axis_name="s")

    @functools.partial(
        pl.kernel,
        mesh=mesh,
        out_type=jax.ShapeDtypeStruct((m, d), jnp.float32),
        compiler_params=pltpu.CompilerParams(needs_layout_passes=False),
        scratch_types=[
            pltpu.VMEM((_GCHUNK,), jnp.int32),
            pltpu.VMEM((_GCHUNK, d), jnp.float32),
            pltpu.SemaphoreType.DMA,
        ],
    )
    def run(feat_hbm, gid_hbm, out_hbm, idx_v, rows_v, sem):
        wid = lax.axis_index("s") * 2 + lax.axis_index("c")
        lo = wid * per
        hi = jnp.minimum(lo + per, n_chunks)

        def body(ci, carry):
            base = ci * _GCHUNK
            pltpu.sync_copy(gid_hbm.at[pl.ds(base, _GCHUNK)], idx_v)
            pltpu.async_copy(feat_hbm.at[idx_v], rows_v, sem).wait()
            pltpu.sync_copy(rows_v, out_hbm.at[pl.ds(base, _GCHUNK)])
            return carry

        lax.fori_loop(lo, hi, body, jnp.int32(0))

    return run(features2d, gid)


def kernel(features, Wv, bv, Wu, bu, w_att, b_att):
    b, n, d = features.shape
    k, n_top, n_rand = _compute_sizes(n)
    k_pad = -(-k // 128) * 128
    n_nontop = n - n_top
    rt_pad = -(-n_nontop // _LANES) * _LANES

    feats2d = features.reshape(b * n, d)
    raw = _scores(feats2d, Wv, bv, Wu, bu, w_att, b_att).reshape(b, n)
    attn, skey, params = _select(raw, n_top)
    rand_t = _rand_tables(b, n_nontop, n_rand, rt_pad)
    idx_pad, gid = _sc_compact(skey, params, rand_t, n, k, k_pad)
    rows = _sc_gather(feats2d, gid)
    selected = rows.reshape(b, k_pad, d)[:, :k, :]
    return selected, attn, idx_pad[:, :k]

# --- scband reference (transcript-rebuilt; emitter-appended) ---
"""Pipeline reference for scband-gated-attention-selector-76493367542316 (READ-ONLY COPY).

The authoritative reference and input builder live on the scoring server;
editing this copy changes nothing except your own understanding.
"""

import jax, jax.numpy as jnp
import numpy as np

B, N, D = 4, 16384, 512
H = 64
TOP_RATIO, MIN_PATCHES, RANDOM_RATIO = 0.7, 128, 0.1


def _compute_k(n):
    return min(max(int(n * TOP_RATIO), MIN_PATCHES), n)


def setup_inputs(seed: int = 0) -> dict:
    key = jax.random.key(seed)
    ks = jax.random.split(key, 6)
    features = jax.random.normal(ks[0], (B, N, D), dtype=jnp.float32)
    Wv = jax.random.normal(ks[1], (D, H), dtype=jnp.float32) * (1.0 / np.sqrt(D))
    bv = jnp.zeros((H,), dtype=jnp.float32)
    Wu = jax.random.normal(ks[2], (D, H), dtype=jnp.float32) * (1.0 / np.sqrt(D))
    bu = jnp.zeros((H,), dtype=jnp.float32)
    w_att = jax.random.normal(ks[3], (H, 1), dtype=jnp.float32) * (1.0 / np.sqrt(H))
    b_att = jnp.zeros((1,), dtype=jnp.float32)
    return {"features": features, "Wv": Wv, "bv": bv, "Wu": Wu, "bu": bu, "w_att": w_att, "b_att": b_att}


def reference(features, Wv, bv, Wu, bu, w_att, b_att):
    # GatedAttention (eval mode: dropout is identity)
    a_V = jnp.tanh(features @ Wv + bv)
    a_U = jax.nn.sigmoid(features @ Wu + bu)
    raw = ((a_V * a_U) @ w_att + b_att)[..., 0]  # (B, N)
    attn = jax.nn.softmax(raw, axis=-1)

    k = _compute_k(N)
    n_rand = max(int(k * RANDOM_RATIO), 1)
    n_top = k - n_rand

    sel_list, idx_list = [], []
    for b in range(B):
        _, top_idx = jax.lax.top_k(attn[b], n_top)
        mask = jnp.ones((N,), dtype=bool).at[top_idx].set(False)
        remaining = jnp.nonzero(mask, size=N - n_top)[0]
        perm = jax.random.permutation(jax.random.fold_in(jax.random.key(42), b), N - n_top)[:n_rand]
        rand_idx = remaining[perm]
        sel_idx = jnp.sort(jnp.concatenate([top_idx, rand_idx]))
        sel_list.append(features[b, sel_idx])
        idx_list.append(sel_idx)
    selected = jnp.stack(sel_list)
    indices = jnp.stack(idx_list)
    return (selected, attn, indices)

if __name__ == "__main__":
    import jax
    _d = setup_inputs()
    print(jax.jit(kernel)(*tuple(_d.values())))

</pallas_src>

<mosaic_0001>
#map = affine_map<(d0, d1) -> (0, 0)>
#map1 = affine_map<(d0, d1) -> (0)>
module attributes {stable_mosaic.version = 14 : i64} {
  func.func @run(%arg0: i32, %arg1: i32, %arg2: memref<4x16384xi32, #tpu.memory_space<hbm>>, %arg3: memref<4x16xi32, #tpu.memory_space<hbm>>, %arg4: memref<4x6064xi32, #tpu.memory_space<hbm>>, %arg5: memref<4x11520xi32, #tpu.memory_space<hbm>>, %arg6: memref<46080xi32, #tpu.memory_space<hbm>>, %arg7: memref<16384xi32, #tpu.memory_space<vmem>>, %arg8: memref<6064xi32, #tpu.memory_space<vmem>>, %arg9: memref<16xi32, #tpu.memory_space<vmem>>, %arg10: memref<11536xi32, #tpu.memory_space<vmem>>, %arg11: memref<11536xi32, #tpu.memory_space<vmem>>) attributes {dimension_semantics = [#tpu.dimension_semantics<core_parallel>, #tpu.dimension_semantics<subcore_parallel>], iteration_bounds = array<i64: 2, 16>, scalar_prefetch = 0 : i64, scratch_operands = 5 : i64, tpu.core_type = #tpu.core_type<sc_vector_subcore>, window_params = [{transform_indices = #map}, {transform_indices = #map}, {transform_indices = #map}, {transform_indices = #map}, {transform_indices = #map1}]} {
    %mul3A = arith.constant 2 : i32
    %mul3A_0 = arith.muli %arg1, %mul3A : i32
    %add3A = arith.addi %mul3A_0, %arg0 : i32
    %lt3A = arith.constant 4 : i32
    %lt3A_1 = arith.cmpi slt, %add3A, %lt3A : i32
    %convert_element_type3A = arith.extui %lt3A_1 : i1 to i32
    %cond3A = arith.constant 0 : i32
    %cond3A_2 = arith.cmpi ne, %convert_element_type3A, %cond3A : i32
    scf.if %cond3A_2 {
      "tpu.region"() ({
        %run_scoped3A = tpu.sem_alloc : memref<!tpu.dma_semaphore, #tpu.memory_space<semaphore_mem>>
        %dma_start3A = arith.constant 0 : i32
        %dma_start3A_44 = tpu.memref_slice %arg2[%add3A, %dma_start3A] : memref<4x16384xi32, #tpu.memory_space<hbm>> -> memref<1x16384xi32, #tpu.memory_space<hbm>>
        %dma_start3A_45 = tpu.memref_squeeze %dma_start3A_44 : memref<1x16384xi32, #tpu.memory_space<hbm>> -> memref<16384xi32, #tpu.memory_space<hbm>>
        %dma_start3A_46 = arith.constant 0 : i32
        %dma_start3A_47 = tpu.memref_slice %arg2[%add3A, %dma_start3A_46] : memref<4x16384xi32, #tpu.memory_space<hbm>> -> memref<1x16384xi32, #tpu.memory_space<hbm>>
        %dma_start3A_48 = tpu.memref_squeeze %dma_start3A_47 : memref<1x16384xi32, #tpu.memory_space<hbm>> -> memref<16384xi32, #tpu.memory_space<hbm>>
        tpu.enqueue_dma source(%dma_start3A_48 : memref<16384xi32, #tpu.memory_space<hbm>>) target(%arg7 : memref<16384xi32, #tpu.memory_space<vmem>>) target_semaphore(%run_scoped3A : memref<!tpu.dma_semaphore, #tpu.memory_space<semaphore_mem>>)
        %dma_wait3A = arith.constant 0 : i32
        %dma_wait3A_49 = tpu.memref_slice %arg2[%add3A, %dma_wait3A] : memref<4x16384xi32, #tpu.memory_space<hbm>> -> memref<1x16384xi32, #tpu.memory_space<hbm>>
        %dma_wait3A_50 = tpu.memref_squeeze %dma_wait3A_49 : memref<1x16384xi32, #tpu.memory_space<hbm>> -> memref<16384xi32, #tpu.memory_space<hbm>>
        %dma_wait3A_51 = arith.constant 0 : i32
        %dma_wait3A_52 = tpu.memref_slice %arg2[%add3A, %dma_wait3A_51] : memref<4x16384xi32, #tpu.memory_space<hbm>> -> memref<1x16384xi32, #tpu.memory_space<hbm>>
        %dma_wait3A_53 = tpu.memref_squeeze %dma_wait3A_52 : memref<1x16384xi32, #tpu.memory_space<hbm>> -> memref<16384xi32, #tpu.memory_space<hbm>>
        tpu.wait_dma2 semaphore(%run_scoped3A : memref<!tpu.dma_semaphore, #tpu.memory_space<semaphore_mem>>) src(%dma_wait3A_53 : memref<16384xi32, #tpu.memory_space<hbm>>) dst(%arg7 : memref<16384xi32, #tpu.memory_space<vmem>>)
        tpu.yield
      }) : () -> ()
      "tpu.region"() ({
        %run_scoped3A = tpu.sem_alloc : memref<!tpu.dma_semaphore, #tpu.memory_space<semaphore_mem>>
        %dma_start3A = arith.constant 0 : i32
        %dma_start3A_44 = tpu.memref_slice %arg4[%add3A, %dma_start3A] : memref<4x6064xi32, #tpu.memory_space<hbm>> -> memref<1x6064xi32, #tpu.memory_space<hbm>>
        %dma_start3A_45 = tpu.memref_squeeze %dma_start3A_44 : memref<1x6064xi32, #tpu.memory_space<hbm>> -> memref<6064xi32, #tpu.memory_space<hbm>>
        %dma_start3A_46 = arith.constant 0 : i32
        %dma_start3A_47 = tpu.memref_slice %arg4[%add3A, %dma_start3A_46] : memref<4x6064xi32, #tpu.memory_space<hbm>> -> memref<1x6064xi32, #tpu.memory_space<hbm>>
        %dma_start3A_48 = tpu.memref_squeeze %dma_start3A_47 : memref<1x6064xi32, #tpu.memory_space<hbm>> -> memref<6064xi32, #tpu.memory_space<hbm>>
        tpu.enqueue_dma source(%dma_start3A_48 : memref<6064xi32, #tpu.memory_space<hbm>>) target(%arg8 : memref<6064xi32, #tpu.memory_space<vmem>>) target_semaphore(%run_scoped3A : memref<!tpu.dma_semaphore, #tpu.memory_space<semaphore_mem>>)
        %dma_wait3A = arith.constant 0 : i32
        %dma_wait3A_49 = tpu.memref_slice %arg4[%add3A, %dma_wait3A] : memref<4x6064xi32, #tpu.memory_space<hbm>> -> memref<1x6064xi32, #tpu.memory_space<hbm>>
        %dma_wait3A_50 = tpu.memref_squeeze %dma_wait3A_49 : memref<1x6064xi32, #tpu.memory_space<hbm>> -> memref<6064xi32, #tpu.memory_space<hbm>>
        %dma_wait3A_51 = arith.constant 0 : i32
        %dma_wait3A_52 = tpu.memref_slice %arg4[%add3A, %dma_wait3A_51] : memref<4x6064xi32, #tpu.memory_space<hbm>> -> memref<1x6064xi32, #tpu.memory_space<hbm>>
        %dma_wait3A_53 = tpu.memref_squeeze %dma_wait3A_52 : memref<1x6064xi32, #tpu.memory_space<hbm>> -> memref<6064xi32, #tpu.memory_space<hbm>>
        tpu.wait_dma2 semaphore(%run_scoped3A : memref<!tpu.dma_semaphore, #tpu.memory_space<semaphore_mem>>) src(%dma_wait3A_53 : memref<6064xi32, #tpu.memory_space<hbm>>) dst(%arg8 : memref<6064xi32, #tpu.memory_space<vmem>>)
        tpu.yield
      }) : () -> ()
      "tpu.region"() ({
        %run_scoped3A = tpu.sem_alloc : memref<!tpu.dma_semaphore, #tpu.memory_space<semaphore_mem>>
        %dma_start3A = arith.constant 0 : i32
        %dma_start3A_44 = tpu.memref_slice %arg3[%add3A, %dma_start3A] : memref<4x16xi32, #tpu.memory_space<hbm>> -> memref<1x16xi32, #tpu.memory_space<hbm>>
        %dma_start3A_45 = tpu.memref_squeeze %dma_start3A_44 : memref<1x16xi32, #tpu.memory_space<hbm>> -> memref<16xi32, #tpu.memory_space<hbm>>
        %dma_start3A_46 = arith.constant 0 : i32
        %dma_start3A_47 = tpu.memref_slice %arg3[%add3A, %dma_start3A_46] : memref<4x16xi32, #tpu.memory_space<hbm>> -> memref<1x16xi32, #tpu.memory_space<hbm>>
        %dma_start3A_48 = tpu.memref_squeeze %dma_start3A_47 : memref<1x16xi32, #tpu.memory_space<hbm>> -> memref<16xi32, #tpu.memory_space<hbm>>
        tpu.enqueue_dma source(%dma_start3A_48 : memref<16xi32, #tpu.memory_space<hbm>>) target(%arg9 : memref<16xi32, #tpu.memory_space<vmem>>) target_semaphore(%run_scoped3A : memref<!tpu.dma_semaphore, #tpu.memory_space<semaphore_mem>>)
        %dma_wait3A = arith.constant 0 : i32
        %dma_wait3A_49 = tpu.memref_slice %arg3[%add3A, %dma_wait3A] : memref<4x16xi32, #tpu.memory_space<hbm>> -> memref<1x16xi32, #tpu.memory_space<hbm>>
        %dma_wait3A_50 = tpu.memref_squeeze %dma_wait3A_49 : memref<1x16xi32, #tpu.memory_space<hbm>> -> memref<16xi32, #tpu.memory_space<hbm>>
        %dma_wait3A_51 = arith.constant 0 : i32
        %dma_wait3A_52 = tpu.memref_slice %arg3[%add3A, %dma_wait3A_51] : memref<4x16xi32, #tpu.memory_space<hbm>> -> memref<1x16xi32, #tpu.memory_space<hbm>>
        %dma_wait3A_53 = tpu.memref_squeeze %dma_wait3A_52 : memref<1x16xi32, #tpu.memory_space<hbm>> -> memref<16xi32, #tpu.memory_space<hbm>>
        tpu.wait_dma2 semaphore(%run_scoped3A : memref<!tpu.dma_semaphore, #tpu.memory_space<semaphore_mem>>) src(%dma_wait3A_53 : memref<16xi32, #tpu.memory_space<hbm>>) dst(%arg9 : memref<16xi32, #tpu.memory_space<vmem>>)
        tpu.yield
      }) : () -> ()
      %get3A = arith.constant 0 : index
      %get3A_3 = tpu.vector_load %arg9[%get3A] {strides = array<i32>} : memref<16xi32, #tpu.memory_space<vmem>>, vector<16xi32>,
      %slice3A = vector.extract_strided_slice %get3A_3 {offsets = [0], sizes = [1], strides = [1]} : vector<16xi32> to vector<1xi32>
      %squeeze3A = vector.extract %slice3A[0] : i32 from vector<1xi32>
      %slice3A_4 = vector.extract_strided_slice %get3A_3 {offsets = [1], sizes = [1], strides = [1]} : vector<16xi32> to vector<1xi32>
      %squeeze3A_5 = vector.extract %slice3A_4[0] : i32 from vector<1xi32>
      %mul3A_6 = arith.constant 16384 : i32
      %mul3A_7 = arith.muli %add3A, %mul3A_6 : i32
      %broadcast_in_dim3A = arith.constant 0 : i32
      %broadcast_in_dim3A_8 = vector.broadcast %broadcast_in_dim3A : i32 to vector<16xi32>
      %swap3A = arith.constant 11456 : index
      %swap3A_9 = tpu.vector_load %arg10[%swap3A] {strides = array<i32>} : memref<11536xi32, #tpu.memory_space<vmem>>, vector<16xi32>,
      tpu.vector_store %arg10[%swap3A], %broadcast_in_dim3A_8 {strides = array<i32>} : memref<11536xi32, #tpu.memory_space<vmem>>, vector<16xi32>,
      %broadcast_in_dim3A_10 = vector.broadcast %mul3A_7 : i32 to vector<16xi32>
      %swap3A_11 = arith.constant 11456 : index
      %swap3A_12 = tpu.vector_load %arg11[%swap3A_11] {strides = array<i32>} : memref<11536xi32, #tpu.memory_space<vmem>>, vector<16xi32>,
      tpu.vector_store %arg11[%swap3A_11], %broadcast_in_dim3A_10 {strides = array<i32>} : memref<11536xi32, #tpu.memory_space<vmem>>, vector<16xi32>,
      %broadcast_in_dim3A_13 = arith.constant 0 : i32
      %broadcast_in_dim3A_14 = vector.broadcast %broadcast_in_dim3A_13 : i32 to vector<16xi32>
      %swap3A_15 = arith.constant 11472 : index
      %swap3A_16 = tpu.vector_load %arg10[%swap3A_15] {strides = array<i32>} : memref<11536xi32, #tpu.memory_space<vmem>>, vector<16xi32>,
      tpu.vector_store %arg10[%swap3A_15], %broadcast_in_dim3A_14 {strides = array<i32>} : memref<11536xi32, #tpu.memory_space<vmem>>, vector<16xi32>,
      %broadcast_in_dim3A_17 = vector.broadcast %mul3A_7 : i32 to vector<16xi32>
      %swap3A_18 = arith.constant 11472 : index
      %swap3A_19 = tpu.vector_load %arg11[%swap3A_18] {strides = array<i32>} : memref<11536xi32, #tpu.memory_space<vmem>>, vector<16xi32>,
      tpu.vector_store %arg11[%swap3A_18], %broadcast_in_dim3A_17 {strides = array<i32>} : memref<11536xi32, #tpu.memory_space<vmem>>, vector<16xi32>,
      %broadcast_in_dim3A_20 = arith.constant 0 : i32
      %broadcast_in_dim3A_21 = vector.broadcast %broadcast_in_dim3A_20 : i32 to vector<16xi32>
      %swap3A_22 = arith.constant 11488 : index
      %swap3A_23 = tpu.vector_load %arg10[%swap3A_22] {strides = array<i32>} : memref<11536xi32, #tpu.memory_space<vmem>>, vector<16xi32>,
      tpu.vector_store %arg10[%swap3A_22], %broadcast_in_dim3A_21 {strides = array<i32>} : memref<11536xi32, #tpu.memory_space<vmem>>, vector<16xi32>,
      %broadcast_in_dim3A_24 = vector.broadcast %mul3A_7 : i32 to vector<16xi32>
      %swap3A_25 = arith.constant 11488 : index
      %swap3A_26 = tpu.vector_load %arg11[%swap3A_25] {strides = array<i32>} : memref<11536xi32, #tpu.memory_space<vmem>>, vector<16xi32>,
      tpu.vector_store %arg11[%swap3A_25], %broadcast_in_dim3A_24 {strides = array<i32>} : memref<11536xi32, #tpu.memory_space<vmem>>, vector<16xi32>,
      %broadcast_in_dim3A_27 = arith.constant 0 : i32
      %broadcast_in_dim3A_28 = vector.broadcast %broadcast_in_dim3A_27 : i32 to vector<16xi32>
      %swap3A_29 = arith.constant 11504 : index
      %swap3A_30 = tpu.vector_load %arg10[%swap3A_29] {strides = array<i32>} : memref<11536xi32, #tpu.memory_space<vmem>>, vector<16xi32>,
      tpu.vector_store %arg10[%swap3A_29], %broadcast_in_dim3A_28 {strides = array<i32>} : memref<11536xi32, #tpu.memory_space<vmem>>, vector<16xi32>,
      %broadcast_in_dim3A_31 = vector.broadcast %mul3A_7 : i32 to vector<16xi32>
      %swap3A_32 = arith.constant 11504 : index
      %swap3A_33 = tpu.vector_load %arg11[%swap3A_32] {strides = array<i32>} : memref<11536xi32, #tpu.memory_space<vmem>>, vector<16xi32>,
      tpu.vector_store %arg11[%swap3A_32], %broadcast_in_dim3A_31 {strides = array<i32>} : memref<11536xi32, #tpu.memory_space<vmem>>, vector<16xi32>,
      %scan3A = arith.constant 0 : i32
      %scan3A_34 = arith.constant 0 : i32
      %scan3A_35 = arith.constant 0 : i32
      %scan3A_36 = arith.constant 0 : i32
      %scan3A_37 = arith.constant 1024 : i32
      %scan3A_38 = arith.addi %scan3A_36, %scan3A_37 : i32
      %scan3A_39 = arith.constant 1 : i32
      %scan3A_40:3 = scf.for %scan3A_44 = %scan3A_36 to %scan3A_38 step %scan3A_39 iter_args(%scan3A_45 = %scan3A, %scan3A_46 = %scan3A_34, %scan3A_47 = %scan3A_35) -> (i32, i32, i32)  : i32 {
        %mul3A_48 = arith.constant 16 : i32
        %mul3A_49 = arith.muli %scan3A_44, %mul3A_48 : i32
        %get3A_50 = arith.index_cast %mul3A_49 : i32 to index
        %get3A_51 = tpu.vector_load %arg7[%get3A_50] {strides = array<i32>} : memref<16384xi32, #tpu.memory_space<vmem>>, vector<16xi32>,
        %gt3A = vector.broadcast %squeeze3A : i32 to vector<16xi32>
        %gt3A_52 = arith.cmpi sgt, %get3A_51, %gt3A : vector<16xi32>
        %eq3A = vector.broadcast %squeeze3A : i32 to vector<16xi32>
        %eq3A_53 = arith.cmpi eq, %get3A_51, %eq3A : vector<16xi32>
        %jit3A = arith.constant 1 : i32
        %jit3A_54 = arith.constant 0 : i32
        %broadcast_in_dim3A_55 = vector.broadcast %jit3A : i32 to vector<16xi32>
        %broadcast_in_dim3A_56 = vector.broadcast %jit3A_54 : i32 to vector<16xi32>
        %select_n3A = arith.select %eq3A_53, %broadcast_in_dim3A_55, %broadcast_in_dim3A_56 : vector<16xi1>, vector<16xi32>
        %broadcast_in_dim3A_57 = arith.constant true
        %broadcast_in_dim3A_58 = vector.broadcast %broadcast_in_dim3A_57 : i1 to vector<16xi1>
        %masked_cumsum3A = tpu.scan <sum>, %select_n3A masked %broadcast_in_dim3A_58 : vector<16xi32>, vector<16xi1> -> vector<16xi32>
        %sub3A = arith.subi %masked_cumsum3A, %select_n3A : vector<16xi32>
        %add3A_59 = vector.broadcast %scan3A_47 : i32 to vector<16xi32>
        %add3A_60 = arith.addi %sub3A, %add3A_59 : vector<16xi32>
        %lt3A_61 = vector.broadcast %squeeze3A_5 : i32 to vector<16xi32>
        %lt3A_62 = arith.cmpi slt, %add3A_60, %lt3A_61 : vector<16xi32>
        %and3A = arith.andi %eq3A_53, %lt3A_62 : vector<16xi1>
        %or3A = arith.ori %gt3A_52, %and3A : vector<16xi1>
        %not3A = arith.constant dense<true> : vector<16xi1>
        %not3A_63 = arith.xori %or3A, %not3A : vector<16xi1>
        %jit3A_64 = arith.constant 1 : i32
        %jit3A_65 = arith.constant 0 : i32
        %broadcast_in_dim3A_66 = vector.broadcast %jit3A_64 : i32 to vector<16xi32>
        %broadcast_in_dim3A_67 = vector.broadcast %jit3A_65 : i32 to vector<16xi32>
        %select_n3A_68 = arith.select %not3A_63, %broadcast_in_dim3A_66, %broadcast_in_dim3A_67 : vector<16xi1>, vector<16xi32>
        %broadcast_in_dim3A_69 = arith.constant true
        %broadcast_in_dim3A_70 = vector.broadcast %broadcast_in_dim3A_69 : i1 to vector<16xi1>
        %masked_cumsum3A_71 = tpu.scan <sum>, %select_n3A_68 masked %broadcast_in_dim3A_70 : vector<16xi32>, vector<16xi1> -> vector<16xi32>
        %sub3A_72 = arith.subi %masked_cumsum3A_71, %select_n3A_68 : vector<16xi32>
        %add3A_73 = vector.broadcast %scan3A_46 : i32 to vector<16xi32>
        %add3A_74 = arith.addi %add3A_73, %sub3A_72 : vector<16xi32>
        %jit3A_75 = arith.constant 0 : i32
        %broadcast_in_dim3A_76 = vector.broadcast %jit3A_75 : i32 to vector<16xi32>
        %select_n3A_77 = arith.select %not3A_63, %add3A_74, %broadcast_in_dim3A_76 : vector<16xi1>, vector<16xi32>
        %gather3A = tpu.vector_load_idx %arg8[%select_n3A_77] masked %not3A_63 : memref<6064xi32, #tpu.memory_space<vmem>>[vector<16xi32>], vector<16xi32>, vector<16xi1>
        %gt3A_78 = arith.constant 0 : i32
        %gt3A_79 = vector.broadcast %gt3A_78 : i32 to vector<16xi32>
        %gt3A_80 = arith.cmpi sgt, %gather3A, %gt3A_79 : vector<16xi32>
        %and3A_81 = arith.andi %not3A_63, %gt3A_80 : vector<16xi1>
        %or3A_82 = arith.ori %or3A, %and3A_81 : vector<16xi1>
        %iota3A = tpu.iota {dimensions = array<i32: 0>} : vector<16xi32>
        %add3A_83 = vector.broadcast %mul3A_49 : i32 to vector<16xi32>
        %add3A_84 = arith.addi %add3A_83, %iota3A : vector<16xi32>
        %swap3A_85 = arith.index_cast %scan3A_45 : i32 to index
        %swap3A_86 = tpu.vector_load %arg10[%swap3A_85] masked %or3A_82 {strides = array<i32>} : memref<11536xi32, #tpu.memory_space<vmem>>, vector<16xi32>, vector<16xi1>
        tpu.vector_store %arg10[%swap3A_85], %add3A_84 masked %or3A_82 {strides = array<i32>} : memref<11536xi32, #tpu.memory_space<vmem>>, vector<16xi32>, vector<16xi1>
        %add3A_87 = vector.broadcast %mul3A_7 : i32 to vector<16xi32>
        %add3A_88 = arith.addi %add3A_84, %add3A_87 : vector<16xi32>
        %swap3A_89 = arith.index_cast %scan3A_45 : i32 to index
        %swap3A_90 = tpu.vector_load %arg11[%swap3A_89] masked %or3A_82 {strides = array<i32>} : memref<11536xi32, #tpu.memory_space<vmem>>, vector<16xi32>, vector<16xi1>
        tpu.vector_store %arg11[%swap3A_89], %add3A_88 masked %or3A_82 {strides = array<i32>} : memref<11536xi32, #tpu.memory_space<vmem>>, vector<16xi32>, vector<16xi1>
        %all_reduce_population_count3A = tpu.all_reduce %or3A_82 {dim = 0 : i64, kind = #tpu.reduction_kind<sum>} : vector<16xi1> -> vector<16xi32>
        %slice3A_91 = vector.extract_strided_slice %all_reduce_population_count3A {offsets = [0], sizes = [1], strides = [1]} : vector<16xi32> to vector<1xi32>
        %squeeze3A_92 = vector.extract %slice3A_91[0] : i32 from vector<1xi32>
        %all_reduce_population_count3A_93 = tpu.all_reduce %not3A_63 {dim = 0 : i64, kind = #tpu.reduction_kind<sum>} : vector<16xi1> -> vector<16xi32>
        %slice3A_94 = vector.extract_strided_slice %all_reduce_population_count3A_93 {offsets = [0], sizes = [1], strides = [1]} : vector<16xi32> to vector<1xi32>
        %squeeze3A_95 = vector.extract %slice3A_94[0] : i32 from vector<1xi32>
        %all_reduce_population_count3A_96 = tpu.all_reduce %eq3A_53 {dim = 0 : i64, kind = #tpu.reduction_kind<sum>} : vector<16xi1> -> vector<16xi32>
        %slice3A_97 = vector.extract_strided_slice %all_reduce_population_count3A_96 {offsets = [0], sizes = [1], strides = [1]} : vector<16xi32> to vector<1xi32>
        %squeeze3A_98 = vector.extract %slice3A_97[0] : i32 from vector<1xi32>
        %add3A_99 = arith.addi %scan3A_45, %squeeze3A_92 : i32
        %add3A_100 = arith.addi %scan3A_46, %squeeze3A_95 : i32
        %add3A_101 = arith.addi %scan3A_47, %squeeze3A_98 : i32
        scf.yield %add3A_99, %add3A_100, %add3A_101 : i32, i32, i32
      }
      %scan3A_41 = arith.constant 1024 : i32
      "tpu.region"() ({
        %run_scoped3A = tpu.sem_alloc : memref<!tpu.dma_semaphore, #tpu.memory_space<semaphore_mem>>
        %dma_start3A = arith.constant 0 : i32
        %dma_start3A_44 = tpu.memref_slice %arg10[%dma_start3A] : memref<11536xi32, #tpu.memory_space<vmem>> -> memref<11520xi32, #tpu.memory_space<vmem>>
        %dma_start3A_45 = arith.constant 0 : i32
        %dma_start3A_46 = tpu.memref_slice %arg5[%add3A, %dma_start3A_45] : memref<4x11520xi32, #tpu.memory_space<hbm>> -> memref<1x11520xi32, #tpu.memory_space<hbm>>
        %dma_start3A_47 = tpu.memref_squeeze %dma_start3A_46 : memref<1x11520xi32, #tpu.memory_space<hbm>> -> memref<11520xi32, #tpu.memory_space<hbm>>
        %dma_start3A_48 = arith.constant 0 : i32
        %dma_start3A_49 = tpu.memref_slice %arg5[%add3A, %dma_start3A_48] : memref<4x11520xi32, #tpu.memory_space<hbm>> -> memref<1x11520xi32, #tpu.memory_space<hbm>>
        %dma_start3A_50 = tpu.memref_squeeze %dma_start3A_49 : memref<1x11520xi32, #tpu.memory_space<hbm>> -> memref<11520xi32, #tpu.memory_space<hbm>>
        %dma_start3A_51 = arith.constant 0 : i32
        %dma_start3A_52 = tpu.memref_slice %arg10[%dma_start3A_51] : memref<11536xi32, #tpu.memory_space<vmem>> -> memref<11520xi32, #tpu.memory_space<vmem>>
        tpu.enqueue_dma source(%dma_start3A_52 : memref<11520xi32, #tpu.memory_space<vmem>>) target(%dma_start3A_50 : memref<11520xi32, #tpu.memory_space<hbm>>) target_semaphore(%run_scoped3A : memref<!tpu.dma_semaphore, #tpu.memory_space<semaphore_mem>>)
        %dma_wait3A = arith.constant 0 : i32
        %dma_wait3A_53 = tpu.memref_slice %arg10[%dma_wait3A] : memref<11536xi32, #tpu.memory_space<vmem>> -> memref<11520xi32, #tpu.memory_space<vmem>>
        %dma_wait3A_54 = arith.constant 0 : i32
        %dma_wait3A_55 = tpu.memref_slice %arg5[%add3A, %dma_wait3A_54] : memref<4x11520xi32, #tpu.memory_space<hbm>> -> memref<1x11520xi32, #tpu.memory_space<hbm>>
        %dma_wait3A_56 = tpu.memref_squeeze %dma_wait3A_55 : memref<1x11520xi32, #tpu.memory_space<hbm>> -> memref<11520xi32, #tpu.memory_space<hbm>>
        %dma_wait3A_57 = arith.constant 0 : i32
        %dma_wait3A_58 = tpu.memref_slice %arg5[%add3A, %dma_wait3A_57] : memref<4x11520xi32, #tpu.memory_space<hbm>> -> memref<1x11520xi32, #tpu.memory_space<hbm>>
        %dma_wait3A_59 = tpu.memref_squeeze %dma_wait3A_58 : memref<1x11520xi32, #tpu.memory_space<hbm>> -> memref<11520xi32, #tpu.memory_space<hbm>>
        %dma_wait3A_60 = arith.constant 0 : i32
        %dma_wait3A_61 = tpu.memref_slice %arg10[%dma_wait3A_60] : memref<11536xi32, #tpu.memory_space<vmem>> -> memref<11520xi32, #tpu.memory_space<vmem>>
        tpu.wait_dma2 semaphore(%run_scoped3A : memref<!tpu.dma_semaphore, #tpu.memory_space<semaphore_mem>>) src(%dma_wait3A_61 : memref<11520xi32, #tpu.memory_space<vmem>>) dst(%dma_wait3A_59 : memref<11520xi32, #tpu.memory_space<hbm>>)
        tpu.yield
      }) : () -> ()
      %mul3A_42 = arith.constant 11520 : i32
      %mul3A_43 = arith.muli %add3A, %mul3A_42 : i32
      "tpu.region"() ({
        %run_scoped3A = tpu.sem_alloc : memref<!tpu.dma_semaphore, #tpu.memory_space<semaphore_mem>>
        %dma_start3A = arith.constant 0 : i32
        %dma_start3A_44 = tpu.memref_slice %arg11[%dma_start3A] : memref<11536xi32, #tpu.memory_space<vmem>> -> memref<11520xi32, #tpu.memory_space<vmem>>
        %dma_start3A_45 = tpu.memref_slice %arg6[%mul3A_43] : memref<46080xi32, #tpu.memory_space<hbm>> -> memref<11520xi32, #tpu.memory_space<hbm>>
        %dma_start3A_46 = tpu.memref_slice %arg6[%mul3A_43] : memref<46080xi32, #tpu.memory_space<hbm>> -> memref<11520xi32, #tpu.memory_space<hbm>>
        %dma_start3A_47 = arith.constant 0 : i32
        %dma_start3A_48 = tpu.memref_slice %arg11[%dma_start3A_47] : memref<11536xi32, #tpu.memory_space<vmem>> -> memref<11520xi32, #tpu.memory_space<vmem>>
        tpu.enqueue_dma source(%dma_start3A_48 : memref<11520xi32, #tpu.memory_space<vmem>>) target(%dma_start3A_46 : memref<11520xi32, #tpu.memory_space<hbm>>) target_semaphore(%run_scoped3A : memref<!tpu.dma_semaphore, #tpu.memory_space<semaphore_mem>>)
        %dma_wait3A = arith.constant 0 : i32
        %dma_wait3A_49 = tpu.memref_slice %arg11[%dma_wait3A] : memref<11536xi32, #tpu.memory_space<vmem>> -> memref<11520xi32, #tpu.memory_space<vmem>>
        %dma_wait3A_50 = tpu.memref_slice %arg6[%mul3A_43] : memref<46080xi32, #tpu.memory_space<hbm>> -> memref<11520xi32, #tpu.memory_space<hbm>>
        %dma_wait3A_51 = tpu.memref_slice %arg6[%mul3A_43] : memref<46080xi32, #tpu.memory_space<hbm>> -> memref<11520xi32, #tpu.memory_space<hbm>>
        %dma_wait3A_52 = arith.constant 0 : i32
        %dma_wait3A_53 = tpu.memref_slice %arg11[%dma_wait3A_52] : memref<11536xi32, #tpu.memory_space<vmem>> -> memref<11520xi32, #tpu.memory_space<vmem>>
        tpu.wait_dma2 semaphore(%run_scoped3A : memref<!tpu.dma_semaphore, #tpu.memory_space<semaphore_mem>>) src(%dma_wait3A_53 : memref<11520xi32, #tpu.memory_space<vmem>>) dst(%dma_wait3A_51 : memref<11520xi32, #tpu.memory_space<hbm>>)
        tpu.yield
      }) : () -> ()
    } else {
    }
    return
  }
}

#map = affine_map<(d0, d1) -> (0, 0)>
#map1 = affine_map<(d0, d1) -> (0)>
module attributes {stable_mosaic.version = 14 : i64} {
  func.func @run(%arg0: i32, %arg1: i32, %arg2: memref<65536x512xf32, #tpu.memory_space<hbm>>, %arg3: memref<46080xi32, #tpu.memory_space<hbm>>, %arg4: memref<46080x512xf32, #tpu.memory_space<hbm>>, %arg5: memref<64xi32, #tpu.memory_space<vmem>>, %arg6: memref<64x512xf32, #tpu.memory_space<vmem>>, %arg7: memref<!tpu.dma_semaphore, #tpu.memory_space<semaphore_mem>>) attributes {dimension_semantics = [#tpu.dimension_semantics<core_parallel>, #tpu.dimension_semantics<subcore_parallel>], iteration_bounds = array<i64: 2, 16>, scalar_prefetch = 0 : i64, scratch_operands = 3 : i64, tpu.core_type = #tpu.core_type<sc_vector_subcore>, window_params = [{transform_indices = #map}, {transform_indices = #map1}, {transform_indices = #map}]} {
    %mul3A = arith.constant 2 : i32
    %mul3A_0 = arith.muli %arg1, %mul3A : i32
    %add3A = arith.addi %mul3A_0, %arg0 : i32
    %mul3A_1 = arith.constant 23 : i32
    %mul3A_2 = arith.muli %add3A, %mul3A_1 : i32
    %add3A_3 = arith.constant 23 : i32
    %add3A_4 = arith.addi %mul3A_2, %add3A_3 : i32
    %min3A = arith.constant 720 : i32
    %min3A_5 = arith.minsi %add3A_4, %min3A : i32
    %while3A = arith.constant 0 : i32
    %while3A_6 = arith.subi %min3A_5, %mul3A_2 : i32
    %while3A_7 = arith.addi %mul3A_2, %while3A_6 : i32
    %while3A_8 = arith.constant 1 : i32
    %while3A_9 = arith.divsi %while3A_6, %while3A_8 : i32
    %while3A_10 = arith.muli %while3A_9, %while3A_8 : i32
    %while3A_11 = arith.addi %mul3A_2, %while3A_10 : i32
    %while3A_12 = arith.constant 1 : i32
    scf.for %while3A_14 = %mul3A_2 to %while3A_11 step %while3A_12  : i32 {
      %mul3A_15 = arith.constant 64 : i32
      %mul3A_16 = arith.muli %while3A_14, %mul3A_15 : i32
      "tpu.region"() ({
        %run_scoped3A = tpu.sem_alloc : memref<!tpu.dma_semaphore, #tpu.memory_space<semaphore_mem>>
        %dma_start3A_21 = tpu.memref_slice %arg3[%mul3A_16] : memref<46080xi32, #tpu.memory_space<hbm>> -> memref<64xi32, #tpu.memory_space<hbm>>
        %dma_start3A_22 = tpu.memref_slice %arg3[%mul3A_16] : memref<46080xi32, #tpu.memory_space<hbm>> -> memref<64xi32, #tpu.memory_space<hbm>>
        tpu.enqueue_dma source(%dma_start3A_22 : memref<64xi32, #tpu.memory_space<hbm>>) target(%arg5 : memref<64xi32, #tpu.memory_space<vmem>>) target_semaphore(%run_scoped3A : memref<!tpu.dma_semaphore, #tpu.memory_space<semaphore_mem>>)
        %dma_wait3A_23 = tpu.memref_slice %arg3[%mul3A_16] : memref<46080xi32, #tpu.memory_space<hbm>> -> memref<64xi32, #tpu.memory_space<hbm>>
        %dma_wait3A_24 = tpu.memref_slice %arg3[%mul3A_16] : memref<46080xi32, #tpu.memory_space<hbm>> -> memref<64xi32, #tpu.memory_space<hbm>>
        tpu.wait_dma2 semaphore(%run_scoped3A : memref<!tpu.dma_semaphore, #tpu.memory_space<semaphore_mem>>) src(%dma_wait3A_24 : memref<64xi32, #tpu.memory_space<hbm>>) dst(%arg5 : memref<64xi32, #tpu.memory_space<vmem>>)
        tpu.yield
      }) : () -> ()
      %dma_start3A = arith.constant 0 : i32
      %dma_start3A_17 = arith.constant 0 : i32
      %dma_start3A_18 = tpu.memref_slice %arg2[%dma_start3A, %dma_start3A_17] : memref<65536x512xf32, #tpu.memory_space<hbm>> -> memref<65536x512xf32, #tpu.memory_space<hbm>>
      tpu.enqueue_indirect_dma source(%dma_start3A_18 : memref<65536x512xf32, #tpu.memory_space<hbm>>) target(%arg6 : memref<64x512xf32, #tpu.memory_space<vmem>>) offsets(%arg5 : memref<64xi32, #tpu.memory_space<vmem>>) semaphore(%arg7 : memref<!tpu.dma_semaphore, #tpu.memory_space<semaphore_mem>>)
      %dma_wait3A = arith.constant 0 : i32
      %dma_wait3A_19 = arith.constant 0 : i32
      %dma_wait3A_20 = tpu.memref_slice %arg2[%dma_wait3A, %dma_wait3A_19] : memref<65536x512xf32, #tpu.memory_space<hbm>> -> memref<65536x512xf32, #tpu.memory_space<hbm>>
      tpu.wait_indirect_dma semaphore(%arg7 : memref<!tpu.dma_semaphore, #tpu.memory_space<semaphore_mem>>) src(%dma_wait3A_20 : memref<65536x512xf32, #tpu.memory_space<hbm>>) dst(%arg6 : memref<64x512xf32, #tpu.memory_space<vmem>>)
      "tpu.region"() ({
        %run_scoped3A = tpu.sem_alloc : memref<!tpu.dma_semaphore, #tpu.memory_space<semaphore_mem>>
        %dma_start3A_21 = arith.constant 0 : i32
        %dma_start3A_22 = tpu.memref_slice %arg4[%mul3A_16, %dma_start3A_21] : memref<46080x512xf32, #tpu.memory_space<hbm>> -> memref<64x512xf32, #tpu.memory_space<hbm>>
        %dma_start3A_23 = arith.constant 0 : i32
        %dma_start3A_24 = tpu.memref_slice %arg4[%mul3A_16, %dma_start3A_23] : memref<46080x512xf32, #tpu.memory_space<hbm>> -> memref<64x512xf32, #tpu.memory_space<hbm>>
        tpu.enqueue_dma source(%arg6 : memref<64x512xf32, #tpu.memory_space<vmem>>) target(%dma_start3A_24 : memref<64x512xf32, #tpu.memory_space<hbm>>) target_semaphore(%run_scoped3A : memref<!tpu.dma_semaphore, #tpu.memory_space<semaphore_mem>>)
        %dma_wait3A_25 = arith.constant 0 : i32
        %dma_wait3A_26 = tpu.memref_slice %arg4[%mul3A_16, %dma_wait3A_25] : memref<46080x512xf32, #tpu.memory_space<hbm>> -> memref<64x512xf32, #tpu.memory_space<hbm>>
        %dma_wait3A_27 = arith.constant 0 : i32
        %dma_wait3A_28 = tpu.memref_slice %arg4[%mul3A_16, %dma_wait3A_27] : memref<46080x512xf32, #tpu.memory_space<hbm>> -> memref<64x512xf32, #tpu.memory_space<hbm>>
        tpu.wait_dma2 semaphore(%run_scoped3A : memref<!tpu.dma_semaphore, #tpu.memory_space<semaphore_mem>>) src(%arg6 : memref<64x512xf32, #tpu.memory_space<vmem>>) dst(%dma_wait3A_28 : memref<64x512xf32, #tpu.memory_space<hbm>>)
        tpu.yield
      }) : () -> ()
    }
    %while3A_13 = arith.constant 1 : i32
    scf.for %while3A_14 = %while3A_11 to %while3A_7 step %while3A_13  : i32 {
      %mul3A_15 = arith.constant 64 : i32
      %mul3A_16 = arith.muli %while3A_14, %mul3A_15 : i32
      "tpu.region"() ({
        %run_scoped3A = tpu.sem_alloc : memref<!tpu.dma_semaphore, #tpu.memory_space<semaphore_mem>>
        %dma_start3A_21 = tpu.memref_slice %arg3[%mul3A_16] : memref<46080xi32, #tpu.memory_space<hbm>> -> memref<64xi32, #tpu.memory_space<hbm>>
        %dma_start3A_22 = tpu.memref_slice %arg3[%mul3A_16] : memref<46080xi32, #tpu.memory_space<hbm>> -> memref<64xi32, #tpu.memory_space<hbm>>
        tpu.enqueue_dma source(%dma_start3A_22 : memref<64xi32, #tpu.memory_space<hbm>>) target(%arg5 : memref<64xi32, #tpu.memory_space<vmem>>) target_semaphore(%run_scoped3A : memref<!tpu.dma_semaphore, #tpu.memory_space<semaphore_mem>>)
        %dma_wait3A_23 = tpu.memref_slice %arg3[%mul3A_16] : memref<46080xi32, #tpu.memory_space<hbm>> -> memref<64xi32, #tpu.memory_space<hbm>>
        %dma_wait3A_24 = tpu.memref_slice %arg3[%mul3A_16] : memref<46080xi32, #tpu.memory_space<hbm>> -> memref<64xi32, #tpu.memory_space<hbm>>
        tpu.wait_dma2 semaphore(%run_scoped3A : memref<!tpu.dma_semaphore, #tpu.memory_space<semaphore_mem>>) src(%dma_wait3A_24 : memref<64xi32, #tpu.memory_space<hbm>>) dst(%arg5 : memref<64xi32, #tpu.memory_space<vmem>>)
        tpu.yield
      }) : () -> ()
      %dma_start3A = arith.constant 0 : i32
      %dma_start3A_17 = arith.constant 0 : i32
      %dma_start3A_18 = tpu.memref_slice %arg2[%dma_start3A, %dma_start3A_17] : memref<65536x512xf32, #tpu.memory_space<hbm>> -> memref<65536x512xf32, #tpu.memory_space<hbm>>
      tpu.enqueue_indirect_dma source(%dma_start3A_18 : memref<65536x512xf32, #tpu.memory_space<hbm>>) target(%arg6 : memref<64x512xf32, #tpu.memory_space<vmem>>) offsets(%arg5 : memref<64xi32, #tpu.memory_space<vmem>>) semaphore(%arg7 : memref<!tpu.dma_semaphore, #tpu.memory_space<semaphore_mem>>)
      %dma_wait3A = arith.constant 0 : i32
      %dma_wait3A_19 = arith.constant 0 : i32
      %dma_wait3A_20 = tpu.memref_slice %arg2[%dma_wait3A, %dma_wait3A_19] : memref<65536x512xf32, #tpu.memory_space<hbm>> -> memref<65536x512xf32, #tpu.memory_space<hbm>>
      tpu.wait_indirect_dma semaphore(%arg7 : memref<!tpu.dma_semaphore, #tpu.memory_space<semaphore_mem>>) src(%dma_wait3A_20 : memref<65536x512xf32, #tpu.memory_space<hbm>>) dst(%arg6 : memref<64x512xf32, #tpu.memory_space<vmem>>)
      "tpu.region"() ({
        %run_scoped3A = tpu.sem_alloc : memref<!tpu.dma_semaphore, #tpu.memory_space<semaphore_mem>>
        %dma_start3A_21 = arith.constant 0 : i32
        %dma_start3A_22 = tpu.memref_slice %arg4[%mul3A_16, %dma_start3A_21] : memref<46080x512xf32, #tpu.memory_space<hbm>> -> memref<64x512xf32, #tpu.memory_space<hbm>>
        %dma_start3A_23 = arith.constant 0 : i32
        %dma_start3A_24 = tpu.memref_slice %arg4[%mul3A_16, %dma_start3A_23] : memref<46080x512xf32, #tpu.memory_space<hbm>> -> memref<64x512xf32, #tpu.memory_space<hbm>>
        tpu.enqueue_dma source(%arg6 : memref<64x512xf32, #tpu.memory_space<vmem>>) target(%dma_start3A_24 : memref<64x512xf32, #tpu.memory_space<hbm>>) target_semaphore(%run_scoped3A : memref<!tpu.dma_semaphore, #tpu.memory_space<semaphore_mem>>)
        %dma_wait3A_25 = arith.constant 0 : i32
        %dma_wait3A_26 = tpu.memref_slice %arg4[%mul3A_16, %dma_wait3A_25] : memref<46080x512xf32, #tpu.memory_space<hbm>> -> memref<64x512xf32, #tpu.memory_space<hbm>>
        %dma_wait3A_27 = arith.constant 0 : i32
        %dma_wait3A_28 = tpu.memref_slice %arg4[%mul3A_16, %dma_wait3A_27] : memref<46080x512xf32, #tpu.memory_space<hbm>> -> memref<64x512xf32, #tpu.memory_space<hbm>>
        tpu.wait_dma2 semaphore(%run_scoped3A : memref<!tpu.dma_semaphore, #tpu.memory_space<semaphore_mem>>) src(%arg6 : memref<64x512xf32, #tpu.memory_space<vmem>>) dst(%dma_wait3A_28 : memref<64x512xf32, #tpu.memory_space<hbm>>)
        tpu.yield
      }) : () -> ()
    }
    return
  }
}

module attributes {stable_mosaic.version = 14 : i64} {
  func.func @_scores_body(%arg0: i32, %arg1: memref<1024x512xf32, #tpu.memory_space<vmem>>, %arg2: memref<512x64xf32, #tpu.memory_space<vmem>>, %arg3: memref<1x64xf32, #tpu.memory_space<vmem>>, %arg4: memref<512x64xf32, #tpu.memory_space<vmem>>, %arg5: memref<1x64xf32, #tpu.memory_space<vmem>>, %arg6: memref<1x64xf32, #tpu.memory_space<vmem>>, %arg7: memref<1x1xf32, #tpu.memory_space<vmem>>, %arg8: memref<1024x1xf32, #tpu.memory_space<vmem>>) attributes {dimension_semantics = [#tpu.dimension_semantics<arbitrary>], iteration_bounds = array<i64: 64>, scalar_prefetch = 0 : i64, scratch_operands = 0 : i64, tpu.core_type = #tpu.core_type<tc>, window_params = [{transform_indices = @transform_0, window_bounds = array<i64: 1024, 512>}, {pipeline_mode = #tpu.pipeline_mode<synchronous>, transform_indices = @transform_1, window_bounds = array<i64: 512, 64>}, {pipeline_mode = #tpu.pipeline_mode<synchronous>, transform_indices = @transform_2, window_bounds = array<i64: 1, 64>}, {pipeline_mode = #tpu.pipeline_mode<synchronous>, transform_indices = @transform_3, window_bounds = array<i64: 512, 64>}, {pipeline_mode = #tpu.pipeline_mode<synchronous>, transform_indices = @transform_4, window_bounds = array<i64: 1, 64>}, {pipeline_mode = #tpu.pipeline_mode<synchronous>, transform_indices = @transform_5, window_bounds = array<i64: 1, 64>}, {pipeline_mode = #tpu.pipeline_mode<synchronous>, transform_indices = @transform_6, window_bounds = array<i64: 1, 1>}, {transform_indices = @transform_7, window_bounds = array<i64: 1024, 1>}]} {
    %get3A = arith.constant 0 : index
    %get3A_0 = arith.constant 0 : index
    %get3A_1 = vector.load %arg1[%get3A, %get3A_0] : memref<1024x512xf32, #tpu.memory_space<vmem>>, vector<1024x512xf32>
    %convert_element_type3A = arith.truncf %get3A_1 : vector<1024x512xf32> to vector<1024x512xbf16>
    %get3A_2 = arith.constant 0 : index
    %get3A_3 = arith.constant 0 : index
    %get3A_4 = vector.load %arg2[%get3A_2, %get3A_3] : memref<512x64xf32, #tpu.memory_space<vmem>>, vector<512x64xf32>
    %convert_element_type3A_5 = arith.truncf %get3A_4 : vector<512x64xf32> to vector<512x64xbf16>
    %dot_general3A = arith.constant dense<0.000000e+00> : vector<1024x64xf32>
    %dot_general3A_6 = tpu.matmul %convert_element_type3A, %convert_element_type3A_5, %dot_general3A {dimension_numbers = #tpu.dot_dimension_numbers<[1], [0], [0], [1], [0, 0, 1, 1], [], []>, transpose_lhs_hint = false} : vector<1024x512xbf16>, vector<512x64xbf16>, vector<1024x64xf32> -> vector<1024x64xf32>
    %get3A_7 = arith.constant 0 : index
    %get3A_8 = arith.constant 0 : index
    %get3A_9 = vector.load %arg3[%get3A_7, %get3A_8] : memref<1x64xf32, #tpu.memory_space<vmem>>, vector<1x64xf32>
    %add3A = vector.broadcast %get3A_9 : vector<1x64xf32> to vector<1024x64xf32>
    %add3A_10 = arith.addf %dot_general3A_6, %add3A : vector<1024x64xf32>
    %tanh3A = math.tanh %add3A_10 : vector<1024x64xf32>
    %get3A_11 = arith.constant 0 : index
    %get3A_12 = arith.constant 0 : index
    %get3A_13 = vector.load %arg4[%get3A_11, %get3A_12] : memref<512x64xf32, #tpu.memory_space<vmem>>, vector<512x64xf32>
    %convert_element_type3A_14 = arith.truncf %get3A_13 : vector<512x64xf32> to vector<512x64xbf16>
    %dot_general3A_15 = arith.constant dense<0.000000e+00> : vector<1024x64xf32>
    %dot_general3A_16 = tpu.matmul %convert_element_type3A, %convert_element_type3A_14, %dot_general3A_15 {dimension_numbers = #tpu.dot_dimension_numbers<[1], [0], [0], [1], [0, 0, 1, 1], [], []>, transpose_lhs_hint = false} : vector<1024x512xbf16>, vector<512x64xbf16>, vector<1024x64xf32> -> vector<1024x64xf32>
    %get3A_17 = arith.constant 0 : index
    %get3A_18 = arith.constant 0 : index
    %get3A_19 = vector.load %arg5[%get3A_17, %get3A_18] : memref<1x64xf32, #tpu.memory_space<vmem>>, vector<1x64xf32>
    %add3A_20 = vector.broadcast %get3A_19 : vector<1x64xf32> to vector<1024x64xf32>
    %add3A_21 = arith.addf %dot_general3A_16, %add3A_20 : vector<1024x64xf32>
    %logistic3A = arith.negf %add3A_21 : vector<1024x64xf32>
    %logistic3A_22 = math.exp %logistic3A : vector<1024x64xf32>
    %logistic3A_23 = arith.constant 1.000000e+00 : f32
    %logistic3A_24 = vector.broadcast %logistic3A_23 : f32 to vector<1024x64xf32>
    %logistic3A_25 = arith.addf %logistic3A_24, %logistic3A_22 : vector<1024x64xf32>
    %logistic3A_26 = arith.divf %logistic3A_24, %logistic3A_25 : vector<1024x64xf32>
    %mul3A = arith.mulf %tanh3A, %logistic3A_26 : vector<1024x64xf32>
    %convert_element_type3A_27 = arith.truncf %mul3A : vector<1024x64xf32> to vector<1024x64xbf16>
    %get3A_28 = arith.constant 0 : index
    %get3A_29 = arith.constant 0 : index
    %get3A_30 = vector.load %arg6[%get3A_28, %get3A_29] : memref<1x64xf32, #tpu.memory_space<vmem>>, vector<1x64xf32>
    %convert_element_type3A_31 = arith.truncf %get3A_30 : vector<1x64xf32> to vector<1x64xbf16>
    %convert_element_type3A_32 = arith.extf %convert_element_type3A_27 : vector<1024x64xbf16> to vector<1024x64xf32>
    %convert_element_type3A_33 = arith.extf %convert_element_type3A_31 : vector<1x64xbf16> to vector<1x64xf32>
    %mul3A_34 = vector.broadcast %convert_element_type3A_33 : vector<1x64xf32> to vector<1024x64xf32>
    %mul3A_35 = arith.mulf %convert_element_type3A_32, %mul3A_34 : vector<1024x64xf32>
    %reduce_sum3A = arith.constant dense<0.000000e+00> : vector<1024xf32>
    %reduce_sum3A_36 = vector.multi_reduction <add>, %mul3A_35, %reduce_sum3A [1] : vector<1024x64xf32> to vector<1024xf32>
    %broadcast_in_dim3A = vector.shape_cast %reduce_sum3A_36 : vector<1024xf32> to vector<1024x1xf32>
    %get3A_37 = arith.constant 0 : index
    %get3A_38 = arith.constant 0 : index
    %get3A_39 = vector.load %arg7[%get3A_37, %get3A_38] : memref<1x1xf32, #tpu.memory_space<vmem>>, vector<1x1xf32>
    %add3A_40 = vector.broadcast %get3A_39 : vector<1x1xf32> to vector<1024x1xf32>
    %add3A_41 = arith.addf %broadcast_in_dim3A, %add3A_40 : vector<1024x1xf32>
    %swap3A = arith.constant 0 : index
    %swap3A_42 = arith.constant 0 : index
    %swap3A_43 = vector.load %arg8[%swap3A, %swap3A_42] : memref<1024x1xf32, #tpu.memory_space<vmem>>, vector<1024x1xf32>
    tpu.vector_store %arg8[%swap3A, %swap3A_42], %add3A_41 {strides = array<i32>} : memref<1024x1xf32, #tpu.memory_space<vmem>>, vector<1024x1xf32>,
    return
  }
  func.func @transform_0(%arg0: i32) -> (i32, i32) {
    %c0_i32 = arith.constant 0 : i32
    %c0_i32_0 = arith.constant 0 : i32
    return %arg0, %c0_i32 : i32, i32
  }
  func.func @transform_1(%arg0: i32) -> (i32, i32) {
    %c0_i32 = arith.constant 0 : i32
    %c0_i32_0 = arith.constant 0 : i32
    %c0_i32_1 = arith.constant 0 : i32
    return %c0_i32, %c0_i32_0 : i32, i32
  }
  func.func @transform_2(%arg0: i32) -> (i32, i32) {
    %c0_i32 = arith.constant 0 : i32
    %c0_i32_0 = arith.constant 0 : i32
    %c0_i32_1 = arith.constant 0 : i32
    return %c0_i32, %c0_i32_0 : i32, i32
  }
  func.func @transform_3(%arg0: i32) -> (i32, i32) {
    %c0_i32 = arith.constant 0 : i32
    %c0_i32_0 = arith.constant 0 : i32
    %c0_i32_1 = arith.constant 0 : i32
    return %c0_i32, %c0_i32_0 : i32, i32
  }
  func.func @transform_4(%arg0: i32) -> (i32, i32) {
    %c0_i32 = arith.constant 0 : i32
    %c0_i32_0 = arith.constant 0 : i32
    %c0_i32_1 = arith.constant 0 : i32
    return %c0_i32, %c0_i32_0 : i32, i32
  }
  func.func @transform_5(%arg0: i32) -> (i32, i32) {
    %c0_i32 = arith.constant 0 : i32
    %c0_i32_0 = arith.constant 0 : i32
    %c0_i32_1 = arith.constant 0 : i32
    return %c0_i32, %c0_i32_0 : i32, i32
  }
  func.func @transform_6(%arg0: i32) -> (i32, i32) {
    %c0_i32 = arith.constant 0 : i32
    %c0_i32_0 = arith.constant 0 : i32
    %c0_i32_1 = arith.constant 0 : i32
    return %c0_i32, %c0_i32_0 : i32, i32
  }
  func.func @transform_7(%arg0: i32) -> (i32, i32) {
    %c0_i32 = arith.constant 0 : i32
    %c0_i32_0 = arith.constant 0 : i32
    return %arg0, %c0_i32 : i32, i32
  }
}

module attributes {stable_mosaic.version = 14 : i64} {
  func.func @_select_body(%arg0: memref<4x16384xf32, #tpu.memory_space<vmem>>, %arg1: memref<4x16384xf32, #tpu.memory_space<vmem>>, %arg2: memref<4x16384xi32, #tpu.memory_space<vmem>>, %arg3: memref<4x16xi32, #tpu.memory_space<vmem>>) attributes {dimension_semantics = [], scalar_prefetch = 0 : i64, scratch_operands = 0 : i64, tpu.core_type = #tpu.core_type<tc>} {
    %get3A = arith.constant 0 : index
    %get3A_0 = arith.constant 0 : index
    %get3A_1 = vector.load %arg0[%get3A, %get3A_0] : memref<4x16384xf32, #tpu.memory_space<vmem>>, vector<4x16384xf32>
    %reduce_max3A = arith.constant dense<0xFF800000> : vector<4xf32>
    %reduce_max3A_2 = vector.multi_reduction <maximumf>, %get3A_1, %reduce_max3A [1] : vector<4x16384xf32> to vector<4xf32>
    %broadcast_in_dim3A = vector.shape_cast %reduce_max3A_2 : vector<4xf32> to vector<4x1xf32>
    %sub3A = vector.broadcast %broadcast_in_dim3A : vector<4x1xf32> to vector<4x16384xf32>
    %sub3A_3 = arith.subf %get3A_1, %sub3A : vector<4x16384xf32>
    %exp3A = math.exp %sub3A_3 : vector<4x16384xf32>
    %reduce_sum3A = arith.constant dense<0.000000e+00> : vector<4xf32>
    %reduce_sum3A_4 = vector.multi_reduction <add>, %exp3A, %reduce_sum3A [1] : vector<4x16384xf32> to vector<4xf32>
    %broadcast_in_dim3A_5 = vector.shape_cast %reduce_sum3A_4 : vector<4xf32> to vector<4x1xf32>
    %div3A = vector.broadcast %broadcast_in_dim3A_5 : vector<4x1xf32> to vector<4x16384xf32>
    %div3A_6 = arith.divf %exp3A, %div3A : vector<4x16384xf32>
    %swap3A = arith.constant 0 : index
    %swap3A_7 = arith.constant 0 : index
    %swap3A_8 = vector.load %arg1[%swap3A, %swap3A_7] : memref<4x16384xf32, #tpu.memory_space<vmem>>, vector<4x16384xf32>
    tpu.vector_store %arg1[%swap3A, %swap3A_7], %div3A_6 {strides = array<i32>} : memref<4x16384xf32, #tpu.memory_space<vmem>>, vector<4x16384xf32>,
    %bitcast_convert_type3A = tpu.bitcast %div3A_6 : vector<4x16384xf32> -> vector<4x16384xi32>
    %ge3A = arith.constant -2147483648 : i32
    %ge3A_9 = vector.broadcast %ge3A : i32 to vector<4x16384xi32>
    %ge3A_10 = arith.cmpi uge, %bitcast_convert_type3A, %ge3A_9 : vector<4x16384xi32>
    %not3A = arith.constant dense<-1> : vector<4x16384xi32>
    %not3A_11 = arith.xori %bitcast_convert_type3A, %not3A : vector<4x16384xi32>
    %or3A = arith.constant -2147483648 : i32
    %or3A_12 = vector.broadcast %or3A : i32 to vector<4x16384xi32>
    %or3A_13 = arith.ori %bitcast_convert_type3A, %or3A_12 : vector<4x16384xi32>
    %select_n3A = arith.select %ge3A_10, %not3A_11, %or3A_13 : vector<4x16384xi1>, vector<4x16384xi32>
    %broadcast_in_dim3A_14 = arith.constant 0 : i32
    %broadcast_in_dim3A_15 = vector.broadcast %broadcast_in_dim3A_14 : i32 to vector<4x1xi32>
    %scan3A = arith.constant 0 : i32
    %scan3A_16 = arith.constant 32 : i32
    %scan3A_17 = arith.addi %scan3A, %scan3A_16 : i32
    %scan3A_18 = arith.constant 1 : i32
    %scan3A_19 = scf.for %scan3A_43 = %scan3A to %scan3A_17 step %scan3A_18 iter_args(%scan3A_44 = %broadcast_in_dim3A_15) -> (vector<4x1xi32>)  : i32 {
      %sub3A_45 = arith.constant 31 : i32
      %sub3A_46 = arith.subi %sub3A_45, %scan3A_43 : i32
      %shift_left3A = arith.constant 1 : i32
      %shift_left3A_47 = arith.shli %shift_left3A, %sub3A_46 : i32
      %or3A_48 = vector.broadcast %shift_left3A_47 : i32 to vector<4x1xi32>
      %or3A_49 = arith.ori %scan3A_44, %or3A_48 : vector<4x1xi32>
      %ge3A_50 = vector.broadcast %or3A_49 : vector<4x1xi32> to vector<4x16384xi32>
      %ge3A_51 = arith.cmpi uge, %select_n3A, %ge3A_50 : vector<4x16384xi32>
      %convert_element_type3A_52 = arith.extui %ge3A_51 : vector<4x16384xi1> to vector<4x16384xi32>
      %reduce_sum3A_53 = arith.constant dense<0> : vector<4xi32>
      %reduce_sum3A_54 = vector.multi_reduction <add>, %convert_element_type3A_52, %reduce_sum3A_53 [1] : vector<4x16384xi32> to vector<4xi32>
      %broadcast_in_dim3A_55 = vector.shape_cast %reduce_sum3A_54 : vector<4xi32> to vector<4x1xi32>
      %ge3A_56 = arith.constant 10322 : i32
      %ge3A_57 = vector.broadcast %ge3A_56 : i32 to vector<4x1xi32>
      %ge3A_58 = arith.cmpi sge, %broadcast_in_dim3A_55, %ge3A_57 : vector<4x1xi32>
      %select_n3A_59 = arith.select %ge3A_58, %or3A_49, %scan3A_44 : vector<4x1xi1>, vector<4x1xi32>
      scf.yield %select_n3A_59 : vector<4x1xi32>
    }
    %scan3A_20 = arith.constant 32 : i32
    %gt3A = vector.broadcast %scan3A_19 : vector<4x1xi32> to vector<4x16384xi32>
    %gt3A_21 = arith.cmpi ugt, %select_n3A, %gt3A : vector<4x16384xi32>
    %convert_element_type3A = arith.extui %gt3A_21 : vector<4x16384xi1> to vector<4x16384xi32>
    %reduce_sum3A_22 = arith.constant dense<0> : vector<4xi32>
    %reduce_sum3A_23 = vector.multi_reduction <add>, %convert_element_type3A, %reduce_sum3A_22 [1] : vector<4x16384xi32> to vector<4xi32>
    %broadcast_in_dim3A_24 = vector.shape_cast %reduce_sum3A_23 : vector<4xi32> to vector<4x1xi32>
    %broadcast_in_dim3A_25 = arith.constant 10322 : i32
    %broadcast_in_dim3A_26 = vector.broadcast %broadcast_in_dim3A_25 : i32 to vector<4x1xi32>
    %sub3A_27 = arith.subi %broadcast_in_dim3A_26, %broadcast_in_dim3A_24 : vector<4x1xi32>
    %xor3A = arith.constant -2147483648 : i32
    %xor3A_28 = vector.broadcast %xor3A : i32 to vector<4x16384xi32>
    %xor3A_29 = arith.xori %select_n3A, %xor3A_28 : vector<4x16384xi32>
    %bitcast_convert_type3A_30 = tpu.bitcast %xor3A_29 : vector<4x16384xi32> -> vector<4x16384xi32>
    %swap3A_31 = arith.constant 0 : index
    %swap3A_32 = arith.constant 0 : index
    %swap3A_33 = vector.load %arg2[%swap3A_31, %swap3A_32] : memref<4x16384xi32, #tpu.memory_space<vmem>>, vector<4x16384xi32>
    tpu.vector_store %arg2[%swap3A_31, %swap3A_32], %bitcast_convert_type3A_30 {strides = array<i32>} : memref<4x16384xi32, #tpu.memory_space<vmem>>, vector<4x16384xi32>,
    %xor3A_34 = arith.constant -2147483648 : i32
    %xor3A_35 = vector.broadcast %xor3A_34 : i32 to vector<4x1xi32>
    %xor3A_36 = arith.xori %scan3A_19, %xor3A_35 : vector<4x1xi32>
    %bitcast_convert_type3A_37 = tpu.bitcast %xor3A_36 : vector<4x1xi32> -> vector<4x1xi32>
    %broadcast_in_dim3A_38 = arith.constant 0 : i32
    %broadcast_in_dim3A_39 = vector.broadcast %broadcast_in_dim3A_38 : i32 to vector<4x14xi32>
    %concatenate3A = tpu.concatenate %bitcast_convert_type3A_37, %sub3A_27, %broadcast_in_dim3A_39 in 1 : vector<4x1xi32>, vector<4x1xi32>, vector<4x14xi32> -> vector<4x16xi32>
    %swap3A_40 = arith.constant 0 : index
    %swap3A_41 = arith.constant 0 : index
    %swap3A_42 = vector.load %arg3[%swap3A_40, %swap3A_41] : memref<4x16xi32, #tpu.memory_space<vmem>>, vector<4x16xi32>
    tpu.vector_store %arg3[%swap3A_40, %swap3A_41], %concatenate3A {strides = array<i32>} : memref<4x16xi32, #tpu.memory_space<vmem>>, vector<4x16xi32>,
    return
  }
}

</mosaic_0001>

<sc_bundles>
// kernel: kernel.6.cloned.1.call-start
scs
__scs_entry_jumppad:
0x0: {  	(pc) =	sbr.rel $0x88, $3  }
0x1: {  	(tag) =	ssettag $0x0;
	lr =	simm.s32 $0x1  }
0x2: {  	[smem:$0x3F9A] =	sst lr;
	_ =	strace $0xD0000000  }
0x3: {  	_ = 	snop  }
0x4: {  	_ = 	snop  }
0x5: {  	_ = 	snop  }
0x6: {  	_ = 	snop  }
0x7: {  	_ = 	snop  }
__scs_overlays_trampoline_lowered:
0x8: {  	[smem:$0x3FA9] =	sst s0  }
0x9: {  	[smem:$0x3FAA] =	sst s1  }
0xa: {  	[smem:$0x3FAB] =	sst s2  }
0xb: {  	[smem:$0x3FAC] =	sst s3  }
0xc: {  	[smem:$0x3FAD] =	sst s4  }
0xd: {  	[smem:$0x3FAE] =	sst s5  }
0xe: {  	[smem:$0x3FAF] =	sst s6  }
0xf: {  	[smem:$0x3FB0] =	sst s7  }
0x10: {  	[smem:$0x3FB1] =	sst s8  }
0x11: {  	[smem:$0x3FB2] =	sst s9;
	s0 =	simm.s32 @!p0 $0x0  }
0x12: {  	s1 =	sld [smem:$0x3F98];
	s0 =	simm.s32 @p0 $0x1  }
0x13: {  	[smem:$0x3FB3] =	sst s0;
	s0 =	simm.s32 @!p1 $0x0  }
0x14: {  	s2 =	sld [smem:$0x3F97];
	s0 =	simm.s32 @p1 $0x1  }
0x15: {  	[smem:$0x3FB4] =	sst s0;
	s0 =	simm.s32 @!p2 $0x0  }
0x16: {  	s3 =	sld [smem:$0x3FDB];
	s0 =	simm.s32 @p2 $0x1  }
0x17: {  	s4 =	simm.s32 $0x1BF5;
	[smem:$0x3FB6] =	sst s0  }
0x18: {  	s0 =	sld [smem:$0x3F99];
	_ =	swait.ge [sflag:s4], $0x0  }
0x19: {  	s7 =	sld [smem:$0x3F9A]  }
0x1a: {  	s8 =	sadd.s32 $0xFFFFE003, lr  }
0x1b: {  	s9 =	sadd.s32 $0xFFFFFEF7, lr;
	s5 =	simm.s32 $0xFFFFFFFF;
	p2 =	slt.u32 s8, $0xFFFFF086  }
0x1c: {  	p1 =	slt.u32 s9, $0xF7A;
	s5 =	simm.s32 @!p2 $0x0  }
0x1d: {  	s5 =	simm.s32 @p1 $0x1;
	p0 =	seq.s32 s7, s2  }
0x1e: {  	s7 =	smul.u32 @!p0 $0xF7A, s2;
	p2 =	seq.s32 @!p0 s5, $0x0  }
0x1f: {  	s9 =	smul.u32 $0xF7A, s1;
	s8 =	simm.s32 @!p0 $0x1BF5;
	p2 =	por !p2, p0  }
0x20: {  	[sflag:s8] =	ssyncset.s32 @!p0 $0xFFFFF086;
	s6 =	sadd.s32 @!p0 s3, s7;
	s7 =	simm.s32 @!p0 $0x108  }
0x21: {  	s3 =	sadd.s32 s3, s9;
	s6 =	sadd.s32 @!p0 $0x88, s6;
	s7 =	simm.s32 @p2 $0x1082  }
0x22: {  	[simem:s7], [sflag:s8] =	dma.local @!p0 [hbm:s6], $0xF7A  }
0x23: {  	s9 =	sor.u32 $0xD0000000, s2;
	s6 =	simm.s32 $0x108;
	_ =	swait.ge @!p0 [sflag:s8], $0x0  }
0x24: {  	s3 =	sadd.s32 $0x88, s3;
	s6 =	simm.s32 @!p1 $0x1082;
	[sflag:s4] =	ssyncset.s32 $0xFFFFF086  }
0x25: {  	[simem:s6], [sflag:s4] =	dma.local [hbm:s3], $0xF7A  }
0x26: {  	[smem:$0x3F9A] =	sst s1;
	(tag) =	ssettag s2;
	_ =	strace s9  }
0x27: {  	s1 =	sld [smem:$0x3FAA]  }
0x28: {  	s2 =	sld [smem:$0x3FAB]  }
0x29: {  	s4 =	sld [smem:$0x3FAD]  }
0x2a: {  	p0 =	seq.s32 s5, $0x0;
	s5 =	sld [smem:$0x3FAE]  }
0x2b: {  	s6 =	sld [smem:$0x3FAF]  }
0x2c: {  	s7 =	sld [smem:$0x3FB0]  }
0x2d: {  	s3 =	simm.s32 $0x108;
	s8 =	sld [smem:$0x3FB1]  }
0x2e: {  	s3 =	simm.s32 @!p0 $0x1082;
	s9 =	sld [smem:$0x3FB2]  }
0x2f: {  	lr =	sadd.s32 s0, s3;
	s0 =	sld [smem:$0x3FA9]  }
0x30: {  	s3 =	sld [smem:$0x3FAC]  }
0x31: {  	[smem:$0x3FB5] =	sst s10  }
0x32: {  	s10 =	sld [smem:$0x3FB3];
	_ =	sdelay $0x3  }
0x33: {  	p0 =	seq.s32 s10, $0x1;
	s10 =	sld [smem:$0x3FB5];
	_ =	sdelay $0x3  }
0x34: {  	[smem:$0x3FB5] =	sst s10  }
0x35: {  	s10 =	sld [smem:$0x3FB4];
	_ =	sdelay $0x3  }
0x36: {  	p1 =	seq.s32 s10, $0x1;
	s10 =	sld [smem:$0x3FB5];
	_ =	sdelay $0x3  }
0x37: {  	[smem:$0x3FB5] =	sst s10  }
0x38: {  	s10 =	sld [smem:$0x3FB6]  }
0x39: {  	_ = 	snop;
	(pc) =	sbr.ind lr, $3  }
0x3a: {  	_ = 	snop  }
0x3b: {  	_ = 	snop  }
0x3c: {  	p2 =	seq.s32 s10, $0x1;
	s10 =	sld [smem:$0x3FB5]  }
0x3d: {  	_ =	shalt  }
0x3e: {  	_ =	shalt  }
0x3f: {  	_ =	shalt  }
0x40: {  	_ =	shalt  }
0x41: {  	_ =	shalt  }
0x42: {  	_ =	shalt  }
0x43: {  	_ =	shalt  }
0x44: {  	_ =	shalt  }
0x45: {  	_ =	shalt  }
0x46: {  	_ =	shalt  }
0x47: {  	_ =	shalt  }
0x48: {  	_ =	shalt  }
0x49: {  	_ =	shalt  }
0x4a: {  	_ =	shalt  }
0x4b: {  	_ =	shalt  }
0x4c: {  	_ =	shalt  }
0x4d: {  	_ =	shalt  }
0x4e: {  	_ =	shalt  }
0x4f: {  	_ =	shalt  }
0x50: {  	_ =	shalt  }
0x51: {  	_ =	shalt  }
0x52: {  	_ =	shalt  }
0x53: {  	_ =	shalt  }
0x54: {  	_ =	shalt  }
0x55: {  	_ =	shalt  }
0x56: {  	_ =	shalt  }
0x57: {  	_ =	shalt  }
0x58: {  	_ =	shalt  }
0x59: {  	_ =	shalt  }
0x5a: {  	_ =	shalt  }
0x5b: {  	_ =	shalt  }
0x5c: {  	_ =	shalt  }
0x5d: {  	_ =	shalt  }
0x5e: {  	_ =	shalt  }
0x5f: {  	_ =	shalt  }
0x60: {  	_ =	shalt  }
0x61: {  	_ =	shalt  }
0x62: {  	_ =	shalt  }
0x63: {  	_ =	shalt  }
0x64: {  	_ =	shalt  }
0x65: {  	_ =	shalt  }
0x66: {  	_ =	shalt  }
0x67: {  	_ =	shalt  }
0x68: {  	_ =	shalt  }
0x69: {  	_ =	shalt  }
0x6a: {  	_ =	shalt  }
0x6b: {  	_ =	shalt  }
0x6c: {  	_ =	shalt  }
0x6d: {  	_ =	shalt  }
0x6e: {  	_ =	shalt  }
0x6f: {  	_ =	shalt  }
0x70: {  	_ =	shalt  }
0x71: {  	_ =	shalt  }
0x72: {  	_ =	shalt  }
0x73: {  	_ =	shalt  }
0x74: {  	_ =	shalt  }
0x75: {  	_ =	shalt  }
0x76: {  	_ =	shalt  }
0x77: {  	_ =	shalt  }
0x78: {  	_ =	shalt  }
0x79: {  	_ =	shalt  }
0x7a: {  	_ =	shalt  }
0x7b: {  	_ =	shalt  }
0x7c: {  	_ =	shalt  }
0x7d: {  	_ =	shalt  }
0x7e: {  	_ =	shalt  }
0x7f: {  	_ =	shalt  }
0x80: {  	_ =	shalt  }
0x81: {  	_ =	shalt  }
0x82: {  	_ =	shalt  }
0x83: {  	_ =	shalt  }
0x84: {  	_ =	shalt  }
0x85: {  	_ =	shalt  }
0x86: {  	_ =	shalt  }
0x87: {  	_ =	shalt  }
.Lfunc_end0:
.L_simem_size_0:
called_computation.1_lowered:
.L_overlay_start_0:
0x88: {  	s2 =	sld [smem:$0x3FD9]  }
0x89: {  	s3 =	sld [smem:$0x3FFE];
	_ =	sdelay $0x1  }
0x8a: {  	s1 =	srdreg.scid  }
0x8b: {  	s0 =	sand.u32 $0x1, s1  }
0x8c: {  	s14 =	sshll.u32 s0, $0xA;
	s2 =	sadd.s32 s3, s2  }
0x8d: {  	s2 =	sadd.s32 s2, s14  }
0x8e: {  	[smem:$0x3FC1] =	sst s2  }
0x8f: {  	_ = 	snop  }
0x90: {  	s2 =	sld [smem:$0x3FD0];
	_ =	sdelay $0x2  }
0x91: {  	s15 =	simm.s32 $0xA;
	s4 =	simm.s32 $0x10  }
0x92: {  	[smem:s4], [sflag:s15] =	dma.local [hbm:s2], $0x1  }
0x93: {  	_ =	swait.eq [sflag:s15], $0x1  }
0x94: {  	[sflag:s15] =	ssyncset.done $0x0  }
0x95: {  	s16 =	sld [smem:$0x10];
	[sflag:s15] =	ssyncadd.s32 $0xFFFFFFFF  }
0x96: {  	s17 =	sld [smem:$0x12];
	(tm) =	ssettm $0x1  }
0x97: {  	s18 =	sld [smem:$0x3FFB];
	_ =	sdelay $0x3  }
0x98: {  	_ =	strace s18  }
0x99: {  	s4 =	sld [smem:$0x3FFC];
	_ =	sdelay $0x3  }
0x9a: {  	_ =	strace s4  }
0x9b: {  	s4 =	sld [smem:$0x3FFD];
	_ =	sdelay $0x3  }
0x9c: {  	_ =	strace s4  }
0x9d: {  	_ =	strace $0x8FFFFFFF  }
0x9e: {  	s19 =	sld [smem:$0x3FDB];
	_ =	sdelay $0x1  }
0x9f: {  	s5 =	simm.s32 $_scs_section_size  }
0xa0: {  	s6 =	simm.s32 $_size__tile_overlayer_lowered;
	s7 =	simm.s32 $_tile_overlayer_lowered  }
0xa1: {  	s22 =	simm.s32 $0x1BFF;
	s21 =	sshll.u32 s7, $0x1;
	s4 =	sadd.s32 s5, s19  }
0xa2: {  	s8 =	simm.s32 $0x0;
	s20 =	sshll.u32 s6, $0x1;
	s6 =	sadd.s32 s21, s4  }
0xa3: {  	[timem:s8], [sflag:s22] =	dma.local [hbm:s6], s20  }
0xa4: {  	_ =	swait.ge [sflag:s22], s20  }
0xa5: {  	s5 =	ssub.s32 $0x0, s20;
	[sflag:s22] =	ssyncset.done $0x0  }
0xa6: {  	[sflag:s22] =	ssyncadd.s32 s5;
	_ =	sdelay $0x1  }
0xa7: {  	s23 =	simm.s32 $0x1B8B  }
0xa8: {  	_ =	swait.ge [sflag:s23], $0x1  }
0xa9: {  	[sflag:s23] =	ssyncset.done $0x0  }
0xaa: {  	s25 =	simm.s32 $0x1B8E;
	s24 =	sld [smem:$0x3FFE];
	[sflag:s23] =	ssyncadd.s32 $0xFFFFFFFF  }
0xab: {  	s26 =	simm.s32 $execute0_lowered;
	[smem:$0x3FD2] =	sst s25  }
0xac: {  	s6 =	sshll.u32 s26, $0x1;
	_ =	strace $0x80000046;
	[dreg:$0x1] =	wrdreg $0xFFFFFFFF  }
0xad: {  	s28 =	simm.s32 $_size_execute0_lowered;
	s4 =	sadd.s32 s4, s6;
	[dreg:$0x0] =	wrdreg $0x0  }
0xae: {  	s6 =	sshll.u32 s28, $0x1;
	[dreg:$0x2] =	wrdreg s4  }
0xaf: {  	[dreg:$0x3] =	wrdreg s6  }
0xb0: {  	[dreg:$0x4] =	wrdreg $0xC0  }
0xb1: {  	_ =	task [dreg:s8], $0x5FFFF  }
0xb2: {  	[dreg:$0x1] =	wrdreg $0xFFFFFFFF  }
0xb3: {  	[dreg:$0x0] =	wrdreg $0x60  }
0xb4: {  	[dreg:$0x2] =	wrdreg s16  }
0xb5: {  	[dreg:$0x3] =	wrdreg s24  }
0xb6: {  	[dreg:$0x4] =	wrdreg s17  }
0xb7: {  	[dreg:$0x5] =	wrdreg $0x9  }
0xb8: {  	_ =	task.clear_ibuf [dreg:s8], $0x6FFFF;
	_ =	strace $0x90000046  }
0xb9: {  	s29 =	simm.s32 $0x9;
	_ =	strace $0x80000048  }
0xba: {  	_ =	swait.ge [sflag:s29], $0x1  }
0xbb: {  	[sflag:s29] =	ssyncadd.s32 $0xFFFFFFFF  }
0xbc: {  	_ =	strace $0x90000048  }
0xbd: {  	_ =	sfence  }
0xbe: {  	s30 =	sld [smem:$0x0];
	_ =	sdelay $0x2  }
0xbf: {  	s31 =	sshll.u32 s1, $0xD;
	s1 =	sshrl.u32 s1, $0x2  }
0xc0: {  	s3 =	sand.u32 $0x4000, s31;
	s1 =	sadd.s32 s1, s30  }
0xc1: {  	s0 =	sor.u32 s3, s0;
	s1 =	sshll.u32 s1, $0x11  }
0xc2: {  	s0 =	sor.u32 s1, s0  }
0xc3: {  	s0 =	sadd.s32 $0x8F2B, s0  }
0xc4: {  	[sflag:s0] =	ssyncadd.remote.s32 $0x1  }
0xc5: {  	_ =	sfence.sel $0xFFFF  }
0xc6: {  	[dreg:$0x0] =	wrdreg $0xFFFFFFFF;
	(pc) =	sbr.abs _section_cstart, $3  }
0xc7: {  	[dreg:$0x1] =	wrdreg $0xFFFFFFFF  }
0xc8: {  	_ =	task.clear_ibuf [dreg:s8], $0x2FFFF;
	_ =	strace $0x9FFFFFFF  }
0xc9: {  	(tm) =	ssettm $0x7FFFFFFF  }
tec
execute0_lowered:
.L_overlay_start_1:
0x0: {  	(tag) =	ssettag $0x1  }
0x1: {  	s1 =	stileid.u32  }
0x2: {  	p0 =	sgt.u32 s1, $0x1  }
.Ltmp0:
0x3: {  	s7 =	rddreg [dreg:$0x0];
	(pc) =	sbr.rel @p0 .LBB2_5-.Ltmp0, $4  }
0x4: {  	s4 =	rddreg [dreg:$0x1]  }
0x5: {  	s5 =	rddreg [dreg:$0x2];
	s2 =	simm.s32 $0x0  }
0x6: {  	[smem:$0x7FF] =	sst s2  }
0x7: {  	s0 =	rddreg [dreg:$0x3];
	_ =	strace $0x80000047  }
0x8: {  	s3 =	srdreg.scid  }
0x9: {  	s30 =	sshll.u32 s1, $0x1;
	s12 =	simm.s32 $0x4000;
	s6 =	sand.u32 $0x1, s3  }
0xa: {  	s13 =	simm.s32 $0x5800;
	s15 =	simm.s32 $0x8600;
	s8 =	sor.u32 s6, s30  }
0xb: {  	s16 =	simm.s32 $0x0;
	s11 =	ssub.s32 $0x2, s6;
	s9 =	smul.u32 $0x5A0, s8  }
0xc: {  	s10 =	sshll.u32 s8, $0x4;
	s14 =	sshll.u32 s8, $0xE;
	s31 =	sshrl.u32 s11, $0x1  }
0xd: {  	s3 =	sadd.s32 s4, s10;
	s5 =	sadd.s32 s5, s10;
	s8 =	ssub.s32 s11, s31  }
0xe: {  	v0 =	vlaneseq.u32;
	s7 =	sadd.s32 s7, s10;
	s10 =	simm.s32 $0x200;
	s11 =	simm.s32 $0x1  }
0xf: {  	v1 =	vmov s14;
	v2 =	vor.u32 s14, v0;
	s14 =	simm.s32 $0x5880;
	s9 =	sadd.s32 s9, s4;
	s4 =	sadd.s32 $0x200, s3  }
0x10: {  	v3 =	vimm.s32 $0x0;
	s8 =	smax.u32 s8, $0x1;
	s6 =	sadd.s32 $0xE00, s9;
	s9 =	simm.s32 $0x80  }
.LBB2_2:
0x11: {  	s17 =	simm.s32 $0x0  }
0x12: {  	[tilespmem:s17], [sflag:$0x1] =	stream.strided.gather [hbm4b:s7+s9], $0x4000, s10, s9, $0x38;
	[tilespmem:$0xB380] =	vst v63  }
0x13: {  	_ =	swait.ge [sflag:s11], $0x4000  }
0x14: {  	[sflag:s11] =	ssyncset.done $0x0  }
0x15: {  	[sflag:s11] =	ssyncadd.s32 $0xFFFFC000  }
0x16: {  	[tilespmem:s12], [sflag:$0x1] =	stream.strided.gather [hbm4b:s4+s9], $0x1800, s10, s9, $0x38;
	[tilespmem:$0xB380] =	vst v63  }
0x17: {  	_ =	swait.ge [sflag:s11], $0x1800  }
0x18: {  	[sflag:s11] =	ssyncset.done $0x0  }
0x19: {  	[sflag:s11] =	ssyncadd.s32 $0xFFFFE800  }
0x1a: {  	[tilespmem:s13], [sflag:$0x1] =	stream.linear.gather [hbm4b:s3+s17], $0x80, $0x38;
	[tilespmem:$0xB380] =	vst v63  }
0x1b: {  	_ =	swait.ge [sflag:s11], $0x80  }
0x1c: {  	[sflag:s11] =	ssyncset.done $0x0  }
0x1d: {  	[sflag:s11] =	ssyncadd.s32 $0xFFFFFF80  }
0x1e: {  	[tilespmem:$0x8540] =	vst v3  }
0x1f: {  	[tilespmem:$0xB2C0] =	vst v1  }
0x20: {  	[tilespmem:$0x8550] =	vst v3  }
0x21: {  	[tilespmem:$0xB2D0] =	vst v1  }
0x22: {  	[tilespmem:$0x8560] =	vst v3  }
0x23: {  	[tilespmem:$0xB2E0] =	vst v1  }
0x24: {  	v5 =	vld [tilespmem:$0x5800];
	[tilespmem:$0x8570] =	vst v3  }
0x25: {  	[tilespmem:$0xB2F0] =	vst v1  }
0x26: {  	v6 =	vld [tilespmem:s17+$0x0];
	_ =	sdelay $0x2  }
0x27: {  	v4 =	vbroadcast v5, $0x0;
	_ =	sdelay $0x1  }
0x28: {  	vm0 =	veq.s32 v6, v4  }
0x29: {  	v7 =	vsel vm0, $0x1, v3  }
0x2a: {  	(xrf0) =	vadd.scan.msk.s32 $0xffff, v7;
	_ =	sdelay $0x4  }
0x2b: {  	v7 =	vsel vm0, $0xFFFFFFFF, v3  }
0x2c: {  	v5 =	vbroadcast v5, $0x1;
	v7 =	vadd.s32 s17, v7;
	v8, _, _ =	vpop (xrf0)  }
0x2d: {  	v7 =	vadd.s32 v8, v7  }
0x2e: {  	vm1 =	vlt.s32 v7, v5  }
0x2f: {  	vm2 =	vgt.s32 v6, v4;
	vm1 =	vmand vm0, vm1  }
0x30: {  	vm1 =	vmor vm2, vm1  }
0x31: {  	vm2 =	vmneg vm1  }
0x32: {  	v6 =	vsel vm2, $0x1, v3  }
0x33: {  	(xrf0) =	vadd.scan.msk.s32 $0xffff, v6;
	_ =	sdelay $0x4  }
0x34: {  	v6 =	vsel vm2, $0xFFFFFFFF, v3  }
0x35: {  	v6 =	vadd.s32 s17, v6;
	v7, _, _ =	vpop (xrf0)  }
0x36: {  	v6 =	vadd.s32 v7, v6  }
0x37: {  	v6 =	vsel vm1, $0x0, v6;
	_ =	sdelay $0x4  }
0x38: {  	v6 =	vld.idx.msk [tilespmem:v6+s12+$0x0], vm2  }
0x39: {  	v7 =	vmpcnt.ones.xlane vm0;
	_ =	sdelay $0x1  }
0x3a: {  	(v2sf) =	vpush v7, $0x0;
	_ =	sdelay $0x1  }
0x3b: {  	vm0 =	vgt.s32 v6, $0x0  }
0x3c: {  	v7 =	vor.u32 s17, v0;
	v6 =	vmpcnt.ones.xlane vm2;
	vm0 =	vmor vm0, vm1  }
0x3d: {  	[tilespmem:s17+$0x5880] =	vst.msk vm0, v7;
	v7 =	vor.u32 s17, v2;
	v62 =	vmpcnt.ones.xlane vm0  }
0x3e: {  	s18 =	simm.s32 $0x10;
	(v2sf) =	vpush v6, $0x0;
	[tilespmem:s17+$0x8600] =	vst.msk vm0, v7  }
0x3f: {  	v6 =	vld [tilespmem:s18+$0x0];
	(v2sf) =	vpush v62, $0x0;
	_ =	sdelay $0x4  }
0x40: {  	vm0 =	veq.s32 v6, v4  }
0x41: {  	v7 =	vsel vm0, $0x1, v3  }
0x42: {  	v63 =	vmpcnt.ones.xlane vm0;
	(xrf0) =	vadd.scan.msk.s32 $0xffff, v7;
	_ =	sdelay $0x1  }
0x43: {  	s19 =	spop (v2sf);
	(v2sf) =	vpush v63, $0x0;
	_ =	sdelay $0x2  }
0x44: {  	s19 =	sadd.s32 $0x0, s19;
	v7 =	vsel vm0, $0xFFFFFFFF, v3  }
0x45: {  	v7 =	vadd.s32 s19, v7;
	v9, _, _ =	vpop (xrf0)  }
0x46: {  	s21 =	simm.s32 $0x20;
	s20 =	spop (v2sf);
	v7 =	vadd.s32 v9, v7  }
0x47: {  	s22 =	simm.s32 $0x10;
	vm1 =	vgt.s32 v6, v4;
	s20 =	sadd.s32 $0x0, s20;
	vm2 =	vlt.s32 v7, v5;
	s23 =	spop (v2sf)  }
.LBB2_3:
0x48: {  	p0 =	sne.s32 s21, $0x3FF0  }
0x49: {  	vm0 =	vmand vm0, vm2;
	s17 =	sadd.s32 s17, s23;
	s23 =	smov.u32 s21;
	s21 =	sadd.s32 $0x10, s21  }
0x4a: {  	vm0 =	vmor vm1, vm0  }
0x4b: {  	vm1 =	vmneg vm0  }
0x4c: {  	v6 =	vsel vm1, $0xFFFFFFFF, v3;
	v7 =	vsel vm1, $0x1, v3;
	v8 =	vmpcnt.ones.xlane vm1  }
0x4d: {  	(xrf0) =	vadd.scan.msk.s32 $0xffff, v7  }
0x4e: {  	(v2sf) =	vpush v8, $0x0;
	_ =	sdelay $0x1  }
0x4f: {  	s24 =	spop (v2sf)  }
0x50: {  	s19 =	sadd.s32 s19, s24;
	_ =	sdelay $0x1  }
0x51: {  	v6 =	vadd.s32 s20, v6;
	v7, _, _ =	vpop (xrf0)  }
0x52: {  	v6 =	vadd.s32 v7, v6  }
0x53: {  	v6 =	vsel vm0, $0x0, v6;
	_ =	sdelay $0x4  }
0x54: {  	v6 =	vld.idx.msk [tilespmem:v6+s12+$0x0], vm1;
	_ =	sdelay $0x2  }
0x55: {  	s24 =	spop (v2sf)  }
0x56: {  	s20 =	sadd.s32 s20, s24;
	_ =	sdelay $0x1  }
0x57: {  	vm1 =	vgt.s32 v6, $0x0  }
0x58: {  	v6 =	vor.u32 s18, v0;
	vm0 =	vmor vm1, vm0  }
0x59: {  	v7 =	vmpcnt.ones.xlane vm0;
	[tilespmem:s17+$0x5880] =	vst.msk vm0, v6;
	v6 =	vor.u32 s18, v2;
	s18 =	smov.u32 s23  }
0x5a: {  	s22 =	sadd.s32 $0x10, s22;
	[tilespmem:s17+$0x8600] =	vst.msk vm0, v6  }
0x5b: {  	v6 =	vld [tilespmem:s22+$0x0];
	(v2sf) =	vpush v7, $0x0;
	_ =	sdelay $0x4  }
0x5c: {  	vm1 =	vgt.s32 v6, v4;
	vm0 =	veq.s32 v6, v4  }
0x5d: {  	v6 =	vsel vm0, $0xFFFFFFFF, v3;
	v7 =	vsel vm0, $0x1, v3;
	v8 =	vmpcnt.ones.xlane vm0  }
0x5e: {  	(xrf0) =	vadd.scan.msk.s32 $0xffff, v7  }
0x5f: {  	(v2sf) =	vpush v8, $0x0;
	_ =	sdelay $0x2  }
.Ltmp1:
0x60: {  	(pc) =	sbr.rel @p0 .LBB2_3-.Ltmp1, $4  }
0x61: {  	_ = 	snop  }
0x62: {  	v6 =	vadd.s32 s19, v6;
	v7, _, _ =	vpop (xrf0)  }
0x63: {  	v6 =	vadd.s32 v7, v6  }
0x64: {  	vm2 =	vlt.s32 v6, v5;
	s23 =	spop (v2sf)  }
0x65: {  	vm0 =	vmand vm0, vm2  }
0x66: {  	vm0 =	vmor vm1, vm0  }
0x67: {  	vm1 =	vmneg vm0  }
0x68: {  	v4 =	vsel vm1, $0x1, v3  }
0x69: {  	(xrf0) =	vadd.scan.msk.s32 $0xffff, v4;
	_ =	sdelay $0x4  }
0x6a: {  	v4 =	vsel vm1, $0xFFFFFFFF, v3  }
0x6b: {  	v4 =	vadd.s32 s20, v4;
	v5, _, _ =	vpop (xrf0)  }
0x6c: {  	v4 =	vadd.s32 v5, v4  }
0x6d: {  	v4 =	vsel vm0, $0x0, v4;
	_ =	sdelay $0x4  }
0x6e: {  	v4 =	vld.idx.msk [tilespmem:v4+s12+$0x0], vm1;
	_ =	sdelay $0x4  }
0x6f: {  	vm15 =	vgt.s32 v4, $0x0  }
0x70: {  	v4 =	vmpcnt.ones.xlane vm1;
	vm0 =	vmor vm15, vm0  }
0x71: {  	v5 =	vmpcnt.ones.xlane vm0  }
0x72: {  	(v2sf) =	vpush v4, $0x0  }
0x73: {  	(v2sf) =	vpush v5, $0x0;
	_ =	sdelay $0x9  }
0x74: {  	s17 =	sadd.s32 s17, s23;
	v4 =	vor.u32 s18, v0  }
0x75: {  	[tilespmem:s17+$0x5880] =	vst.msk vm0, v4;
	v4 =	vor.u32 s18, v2  }
0x76: {  	s19 =	spop (v2sf);
	[tilespmem:s17+$0x8600] =	vst.msk vm0, v4  }
0x77: {  	[hbm4b:s5+s9] =	stream.strided.scatter [tilespmem:s14], [sflag:$0x1], $0x2D00, s10, s9, $0x38;
	[tilespmem:$0xB380] =	vst v63  }
0x78: {  	s19 =	spop (v2sf)  }
0x79: {  	s31 =	spop (v2sf)  }
0x7a: {  	s16 =	sadd.s32 $0x1, s16;
	_ =	swait.ge [sflag:s11], $0x2D00  }
0x7b: {  	p0 =	sne.s32 s16, s8;
	[sflag:s11] =	ssyncset.done $0x0  }
.Ltmp2:
0x7c: {  	[sflag:s11] =	ssyncadd.s32 $0xFFFFD300;
	(pc) =	sbr.rel @p0 .LBB2_2-.Ltmp2, $4  }
0x7d: {  	[hbm4b:s6+s2] =	stream.linear.scatter [tilespmem:s15], [sflag:$0x1], $0x2D00, $0x38;
	[tilespmem:$0xB380] =	vst v63  }
0x7e: {  	_ =	swait.ge [sflag:s11], $0x2D00  }
0x7f: {  	[sflag:s11] =	ssyncset.done $0x0  }
0x80: {  	[sflag:s11] =	ssyncadd.s32 $0xFFFFD300  }
.LBB2_5:
0x81: {  	_ =	sfence.sel $0x180000  }
0x82: {  	[bflag:$0x0] =	sbarrier.arrive $0xFFFF  }
0x83: {  	p0 =	sne.s32 s1, $0x0;
	_ =	strace $0x90000047  }
0x84: {  	s0 =	sadd.s32 @!p0 $0x100000, s0;
	[bflag:$0x2] =	sbarrier.arrive $0xFFFF  }
0x85: {  	[sflag:s0] =	ssyncadd.tile.s32 @!p0 $0x1;
	_ =	shalt  }
.Lfunc_end2:
_tile_overlayer_lowered:
.L_overlay_start_2:
0x86: {  	(tag) =	ssettag $0x2  }
0x87: {  	s0 =	rddreg [dreg:$0x0];
	s2 =	stileid.u32  }
0x88: {  	s1 =	rddreg [dreg:$0x1];
	p0 =	sne.s32 s2, $0x0  }
0x89: {  	s3 =	rddreg [dreg:$0x2];
	[bflag:$0x3] =	sbarrier.arrive $0xFFFF;
	s2 =	simm.s32 @!p0 $0x1C01  }
0x8a: {  	[timem:s3], [sflag:s2] =	dma.local @!p0 [hbm:s0], s1  }
0x8b: {  	s0 =	simm.s32 @!p0 $0x1  }
0x8c: {  	_ =	swait.ge @!p0 [sflag:s0], s1  }
0x8d: {  	s1 =	ssub.s32 @!p0 $0x0, s1;
	[sflag:s0] =	ssyncset.done @!p0 $0x0  }
0x8e: {  	[sflag:s0] =	ssyncadd.s32 @!p0 s1  }
0x8f: {  	[bflag:$0x3] =	sbarrier.arrive $0xFFFF  }
0x90: {  	_ =	shalt  }

// kernel: kernel.9.cloned.1.call-start
scs
__scs_entry_jumppad:
0x0: {  	(pc) =	sbr.rel $0x88, $3  }
0x1: {  	(tag) =	ssettag $0x0;
	lr =	simm.s32 $0x1  }
0x2: {  	[smem:$0x3F9A] =	sst lr;
	_ =	strace $0xD0000000  }
0x3: {  	_ = 	snop  }
0x4: {  	_ = 	snop  }
0x5: {  	_ = 	snop  }
0x6: {  	_ = 	snop  }
0x7: {  	_ = 	snop  }
__scs_overlays_trampoline_lowered:
0x8: {  	[smem:$0x3FA9] =	sst s0  }
0x9: {  	[smem:$0x3FAA] =	sst s1  }
0xa: {  	[smem:$0x3FAB] =	sst s2  }
0xb: {  	[smem:$0x3FAC] =	sst s3  }
0xc: {  	[smem:$0x3FAD] =	sst s4  }
0xd: {  	[smem:$0x3FAE] =	sst s5  }
0xe: {  	[smem:$0x3FAF] =	sst s6  }
0xf: {  	[smem:$0x3FB0] =	sst s7  }
0x10: {  	[smem:$0x3FB1] =	sst s8  }
0x11: {  	[smem:$0x3FB2] =	sst s9;
	s0 =	simm.s32 @!p0 $0x0  }
0x12: {  	s1 =	sld [smem:$0x3F98];
	s0 =	simm.s32 @p0 $0x1  }
0x13: {  	[smem:$0x3FB3] =	sst s0;
	s0 =	simm.s32 @!p1 $0x0  }
0x14: {  	s2 =	sld [smem:$0x3F97];
	s0 =	simm.s32 @p1 $0x1  }
0x15: {  	[smem:$0x3FB4] =	sst s0;
	s0 =	simm.s32 @!p2 $0x0  }
0x16: {  	s3 =	sld [smem:$0x3FDB];
	s0 =	simm.s32 @p2 $0x1  }
0x17: {  	s4 =	simm.s32 $0x1BF5;
	[smem:$0x3FB6] =	sst s0  }
0x18: {  	s0 =	sld [smem:$0x3F99];
	_ =	swait.ge [sflag:s4], $0x0  }
0x19: {  	s7 =	sld [smem:$0x3F9A]  }
0x1a: {  	s8 =	sadd.s32 $0xFFFFE003, lr  }
0x1b: {  	s9 =	sadd.s32 $0xFFFFFEF7, lr;
	s5 =	simm.s32 $0xFFFFFFFF;
	p2 =	slt.u32 s8, $0xFFFFF086  }
0x1c: {  	p1 =	slt.u32 s9, $0xF7A;
	s5 =	simm.s32 @!p2 $0x0  }
0x1d: {  	s5 =	simm.s32 @p1 $0x1;
	p0 =	seq.s32 s7, s2  }
0x1e: {  	s7 =	smul.u32 @!p0 $0xF7A, s2;
	p2 =	seq.s32 @!p0 s5, $0x0  }
0x1f: {  	s9 =	smul.u32 $0xF7A, s1;
	s8 =	simm.s32 @!p0 $0x1BF5;
	p2 =	por !p2, p0  }
0x20: {  	[sflag:s8] =	ssyncset.s32 @!p0 $0xFFFFF086;
	s6 =	sadd.s32 @!p0 s3, s7;
	s7 =	simm.s32 @!p0 $0x108  }
0x21: {  	s3 =	sadd.s32 s3, s9;
	s6 =	sadd.s32 @!p0 $0x88, s6;
	s7 =	simm.s32 @p2 $0x1082  }
0x22: {  	[simem:s7], [sflag:s8] =	dma.local @!p0 [hbm:s6], $0xF7A  }
0x23: {  	s9 =	sor.u32 $0xD0000000, s2;
	s6 =	simm.s32 $0x108;
	_ =	swait.ge @!p0 [sflag:s8], $0x0  }
0x24: {  	s3 =	sadd.s32 $0x88, s3;
	s6 =	simm.s32 @!p1 $0x1082;
	[sflag:s4] =	ssyncset.s32 $0xFFFFF086  }
0x25: {  	[simem:s6], [sflag:s4] =	dma.local [hbm:s3], $0xF7A  }
0x26: {  	[smem:$0x3F9A] =	sst s1;
	(tag) =	ssettag s2;
	_ =	strace s9  }
0x27: {  	s1 =	sld [smem:$0x3FAA]  }
0x28: {  	s2 =	sld [smem:$0x3FAB]  }
0x29: {  	s4 =	sld [smem:$0x3FAD]  }
0x2a: {  	p0 =	seq.s32 s5, $0x0;
	s5 =	sld [smem:$0x3FAE]  }
0x2b: {  	s6 =	sld [smem:$0x3FAF]  }
0x2c: {  	s7 =	sld [smem:$0x3FB0]  }
0x2d: {  	s3 =	simm.s32 $0x108;
	s8 =	sld [smem:$0x3FB1]  }
0x2e: {  	s3 =	simm.s32 @!p0 $0x1082;
	s9 =	sld [smem:$0x3FB2]  }
0x2f: {  	lr =	sadd.s32 s0, s3;
	s0 =	sld [smem:$0x3FA9]  }
0x30: {  	s3 =	sld [smem:$0x3FAC]  }
0x31: {  	[smem:$0x3FB5] =	sst s10  }
0x32: {  	s10 =	sld [smem:$0x3FB3];
	_ =	sdelay $0x3  }
0x33: {  	p0 =	seq.s32 s10, $0x1;
	s10 =	sld [smem:$0x3FB5];
	_ =	sdelay $0x3  }
0x34: {  	[smem:$0x3FB5] =	sst s10  }
0x35: {  	s10 =	sld [smem:$0x3FB4];
	_ =	sdelay $0x3  }
0x36: {  	p1 =	seq.s32 s10, $0x1;
	s10 =	sld [smem:$0x3FB5];
	_ =	sdelay $0x3  }
0x37: {  	[smem:$0x3FB5] =	sst s10  }
0x38: {  	s10 =	sld [smem:$0x3FB6]  }
0x39: {  	_ = 	snop;
	(pc) =	sbr.ind lr, $3  }
0x3a: {  	_ = 	snop  }
0x3b: {  	_ = 	snop  }
0x3c: {  	p2 =	seq.s32 s10, $0x1;
	s10 =	sld [smem:$0x3FB5]  }
0x3d: {  	_ =	shalt  }
0x3e: {  	_ =	shalt  }
0x3f: {  	_ =	shalt  }
0x40: {  	_ =	shalt  }
0x41: {  	_ =	shalt  }
0x42: {  	_ =	shalt  }
0x43: {  	_ =	shalt  }
0x44: {  	_ =	shalt  }
0x45: {  	_ =	shalt  }
0x46: {  	_ =	shalt  }
0x47: {  	_ =	shalt  }
0x48: {  	_ =	shalt  }
0x49: {  	_ =	shalt  }
0x4a: {  	_ =	shalt  }
0x4b: {  	_ =	shalt  }
0x4c: {  	_ =	shalt  }
0x4d: {  	_ =	shalt  }
0x4e: {  	_ =	shalt  }
0x4f: {  	_ =	shalt  }
0x50: {  	_ =	shalt  }
0x51: {  	_ =	shalt  }
0x52: {  	_ =	shalt  }
0x53: {  	_ =	shalt  }
0x54: {  	_ =	shalt  }
0x55: {  	_ =	shalt  }
0x56: {  	_ =	shalt  }
0x57: {  	_ =	shalt  }
0x58: {  	_ =	shalt  }
0x59: {  	_ =	shalt  }
0x5a: {  	_ =	shalt  }
0x5b: {  	_ =	shalt  }
0x5c: {  	_ =	shalt  }
0x5d: {  	_ =	shalt  }
0x5e: {  	_ =	shalt  }
0x5f: {  	_ =	shalt  }
0x60: {  	_ =	shalt  }
0x61: {  	_ =	shalt  }
0x62: {  	_ =	shalt  }
0x63: {  	_ =	shalt  }
0x64: {  	_ =	shalt  }
0x65: {  	_ =	shalt  }
0x66: {  	_ =	shalt  }
0x67: {  	_ =	shalt  }
0x68: {  	_ =	shalt  }
0x69: {  	_ =	shalt  }
0x6a: {  	_ =	shalt  }
0x6b: {  	_ =	shalt  }
0x6c: {  	_ =	shalt  }
0x6d: {  	_ =	shalt  }
0x6e: {  	_ =	shalt  }
0x6f: {  	_ =	shalt  }
0x70: {  	_ =	shalt  }
0x71: {  	_ =	shalt  }
0x72: {  	_ =	shalt  }
0x73: {  	_ =	shalt  }
0x74: {  	_ =	shalt  }
0x75: {  	_ =	shalt  }
0x76: {  	_ =	shalt  }
0x77: {  	_ =	shalt  }
0x78: {  	_ =	shalt  }
0x79: {  	_ =	shalt  }
0x7a: {  	_ =	shalt  }
0x7b: {  	_ =	shalt  }
0x7c: {  	_ =	shalt  }
0x7d: {  	_ =	shalt  }
0x7e: {  	_ =	shalt  }
0x7f: {  	_ =	shalt  }
0x80: {  	_ =	shalt  }
0x81: {  	_ =	shalt  }
0x82: {  	_ =	shalt  }
0x83: {  	_ =	shalt  }
0x84: {  	_ =	shalt  }
0x85: {  	_ =	shalt  }
0x86: {  	_ =	shalt  }
0x87: {  	_ =	shalt  }
.Lfunc_end0:
.L_simem_size_0:
called_computation.2_lowered:
.L_overlay_start_0:
0x88: {  	s2 =	sld [smem:$0x3FD9]  }
0x89: {  	s3 =	sld [smem:$0x3FFE];
	_ =	sdelay $0x1  }
0x8a: {  	s1 =	srdreg.scid  }
0x8b: {  	s0 =	sand.u32 $0x1, s1  }
0x8c: {  	s17 =	sshll.u32 s0, $0xA;
	s2 =	sadd.s32 s3, s2  }
0x8d: {  	s2 =	sadd.s32 s2, s17  }
0x8e: {  	[smem:$0x3FC1] =	sst s2  }
0x8f: {  	_ = 	snop  }
0x90: {  	s2 =	sld [smem:$0x3FC9];
	(tm) =	ssettm $0x1  }
0x91: {  	s18 =	sld [smem:$0x3FFB];
	_ =	sdelay $0x3  }
0x92: {  	_ =	strace s18  }
0x93: {  	s3 =	sld [smem:$0x3FFC];
	_ =	sdelay $0x3  }
0x94: {  	_ =	strace s3  }
0x95: {  	s3 =	sld [smem:$0x3FFD];
	_ =	sdelay $0x3  }
0x96: {  	_ =	strace s3  }
0x97: {  	_ =	strace $0x8FFFFFFF  }
0x98: {  	s19 =	sld [smem:$0x3FDB];
	_ =	sdelay $0x1  }
0x99: {  	s4 =	simm.s32 $_scs_section_size  }
0x9a: {  	s5 =	simm.s32 $_size__tile_overlayer_lowered;
	s6 =	simm.s32 $_tile_overlayer_lowered  }
0x9b: {  	s22 =	simm.s32 $0x1BFF;
	s21 =	sshll.u32 s6, $0x1;
	s3 =	sadd.s32 s4, s19  }
0x9c: {  	s7 =	simm.s32 $0x0;
	s20 =	sshll.u32 s5, $0x1;
	s5 =	sadd.s32 s21, s3  }
0x9d: {  	[timem:s7], [sflag:s22] =	dma.local [hbm:s5], s20  }
0x9e: {  	_ =	swait.ge [sflag:s22], s20  }
0x9f: {  	s4 =	ssub.s32 $0x0, s20;
	[sflag:s22] =	ssyncset.done $0x0  }
0xa0: {  	[sflag:s22] =	ssyncadd.s32 s4;
	_ =	sdelay $0x1  }
0xa1: {  	s23 =	simm.s32 $0x1B8B  }
0xa2: {  	_ =	swait.ge [sflag:s23], $0x1  }
0xa3: {  	[sflag:s23] =	ssyncset.done $0x0  }
0xa4: {  	s25 =	simm.s32 $0x1B8E;
	s24 =	sld [smem:$0x3FFE];
	[sflag:s23] =	ssyncadd.s32 $0xFFFFFFFF  }
0xa5: {  	s26 =	simm.s32 $execute0_lowered;
	[smem:$0x3FD2] =	sst s25  }
0xa6: {  	s5 =	sshll.u32 s26, $0x1;
	_ =	strace $0x80000049;
	[dreg:$0x1] =	wrdreg $0xFFFFFFFF  }
0xa7: {  	s28 =	simm.s32 $_size_execute0_lowered;
	s3 =	sadd.s32 s3, s5;
	[dreg:$0x0] =	wrdreg $0x0  }
0xa8: {  	s5 =	sshll.u32 s28, $0x1;
	[dreg:$0x2] =	wrdreg s3  }
0xa9: {  	[dreg:$0x3] =	wrdreg s5  }
0xaa: {  	[dreg:$0x4] =	wrdreg $0xC0  }
0xab: {  	_ =	task [dreg:s7], $0x5FFFF  }
0xac: {  	[dreg:$0x1] =	wrdreg $0xFFFFFFFF  }
0xad: {  	[dreg:$0x0] =	wrdreg $0x60  }
0xae: {  	[dreg:$0x2] =	wrdreg s2  }
0xaf: {  	[dreg:$0x3] =	wrdreg s24  }
0xb0: {  	[dreg:$0x4] =	wrdreg $0x9  }
0xb1: {  	_ =	task.clear_ibuf [dreg:s7], $0x5FFFF;
	_ =	strace $0x90000049  }
0xb2: {  	s29 =	simm.s32 $0x9;
	_ =	strace $0x8000004B  }
0xb3: {  	_ =	swait.ge [sflag:s29], $0x1  }
0xb4: {  	[sflag:s29] =	ssyncadd.s32 $0xFFFFFFFF  }
0xb5: {  	_ =	strace $0x9000004B  }
0xb6: {  	_ =	sfence  }
0xb7: {  	s30 =	sld [smem:$0x0];
	_ =	sdelay $0x2  }
0xb8: {  	s31 =	sshll.u32 s1, $0xD;
	s1 =	sshrl.u32 s1, $0x2  }
0xb9: {  	s3 =	sand.u32 $0x4000, s31;
	s1 =	sadd.s32 s1, s30  }
0xba: {  	s0 =	sor.u32 s3, s0;
	s1 =	sshll.u32 s1, $0x11  }
0xbb: {  	s0 =	sor.u32 s1, s0  }
0xbc: {  	s0 =	sadd.s32 $0x8F2B, s0  }
0xbd: {  	[sflag:s0] =	ssyncadd.remote.s32 $0x1  }
0xbe: {  	_ =	sfence.sel $0xFFFF  }
0xbf: {  	[dreg:$0x0] =	wrdreg $0xFFFFFFFF;
	(pc) =	sbr.abs _section_cstart, $3  }
0xc0: {  	[dreg:$0x1] =	wrdreg $0xFFFFFFFF  }
0xc1: {  	_ =	task.clear_ibuf [dreg:s7], $0x2FFFF;
	_ =	strace $0x9FFFFFFF  }
0xc2: {  	(tm) =	ssettm $0x7FFFFFFF  }
0xc3: {  	_ =	shalt  }
tec
execute0_lowered:
.L_overlay_start_1:
0x0: {  	(tag) =	ssettag $0x1  }
0x1: {  	s1 =	srdreg.scid;
	s0 =	stileid.u32  }
0x2: {  	s2 =	sand.u32 $0x1, s1;
	s31 =	sshll.u32 s0, $0x1  }
0x3: {  	s1 =	sor.u32 s2, s31  }
0x4: {  	s1 =	smul.u32 $0x17, s1;
	_ =	sdelay $0x1  }
0x5: {  	s5 =	smin.u32 s1, $0x2B9  }
0x6: {  	s5 =	sadd.s32 $0x17, s5  }
0x7: {  	p0 =	sge.u32 s1, s5  }
.Ltmp0:
0x8: {  	_ = 	snop;
	(pc) =	sbr.rel @p0 .LBB2_5-.Ltmp0, $4  }
0x9: {  	_ = 	snop  }
0xa: {  	s3 =	rddreg [dreg:$0x0];
	s4 =	simm.s32 $0x0  }
0xb: {  	[smem:$0x7FF] =	sst s4  }
0xc: {  	s6 =	rddreg [dreg:$0x1];
	_ =	strace $0x8000004A  }
0xd: {  	s8 =	smul.u32 $0x2E000, s0  }
0xe: {  	s9 =	sadd.s32 $0xE00, s6;
	s7 =	ssub.s32 $0x2, s2;
	s10 =	smul.u32 $0x17000, s2  }
0xf: {  	s11 =	sadd.s32 $0x2600, s6;
	s13 =	smul.u32 $0x170, s0;
	s6 =	sadd.s32 $0x100, s3  }
0x10: {  	s31 =	smul.u32 $0xB8, s2;
	s14 =	simm.s32 $0x1880;
	s15 =	simm.s32 $0x2080  }
0x11: {  	s16 =	simm.s32 $0x2880;
	s17 =	simm.s32 $0x3080;
	s18 =	simm.s32 $0x3880  }
0x12: {  	s19 =	simm.s32 $0x4080;
	s20 =	simm.s32 $0x4880;
	s21 =	simm.s32 $0x5080  }
0x13: {  	s22 =	simm.s32 $0x5880;
	s23 =	simm.s32 $0x6080;
	s24 =	simm.s32 $0x6880  }
0x14: {  	s25 =	simm.s32 $0x7080;
	s26 =	simm.s32 $0x7880;
	s12 =	sshrl.u32 s7, $0x1  }
0x15: {  	s28 =	simm.s32 $0x1;
	s29 =	simm.s32 $0x0;
	s7 =	ssub.s32 s7, s12  }
0x16: {  	v2 =	vlaneseq.u32;
	s8 =	sadd.s32 s8, s11;
	s9 =	sadd.s32 s13, s9;
	s11 =	simm.s32 $0x80  }
0x17: {  	vm0 =	vmmov $0xffff;
	v1 =	vshrl.u32 v2, $0x3;
	s12 =	simm.s32 $0x880;
	s13 =	simm.s32 $0x1080;
	s7 =	smax.u32 s7, $0x1  }
0x18: {  	v0 =	vand.u32 $0x7, v2;
	v2 =	vor.u32 $0x8, v2;
	v1 =	vmul.u32 $0x8, v1;
	s8 =	sadd.s32 s10, s8;
	s9 =	sadd.s32 s31, s9;
	s10 =	simm.s32 $0x2  }
.LBB2_2:
0x19: {  	s30 =	smov.u32 s9;
	s31 =	smov.u32 s8;
	s2 =	smov.u32 s1  }
.LBB2_3:
0x1a: {  	[tilespmem:s4], [sflag:$0x2] =	stream.linear.gather [hbm4b:s30+s4], $0x40, $0x38;
	[tilespmem:$0x8080] =	vst v63  }
0x1b: {  	_ =	swait.ge [sflag:s10], $0x40  }
0x1c: {  	[sflag:s10] =	ssyncset.done $0x0  }
0x1d: {  	[sflag:s10] =	ssyncadd.s32 $0xFFFFFFC0  }
0x1e: {  	v3 =	vld [tilespmem:$0x0];
	_ =	sdelay $0x4  }
0x1f: {  	v4 =	vshll.u32 v3, $0x2  }
0x20: {  	v3 =	vand.u32 $0x7, v3;
	v4 =	vand.u32 $0xFFFFFFE0, v4  }
0x21: {  	v3 =	vor.u32 v3, v4  }
0x22: {  	v4 =	vperm.xlane v3, v0;
	_ =	sdelay $0x1  }
0x23: {  	v4 =	vadd.s32 v1, v4;
	_ =	sdelay $0x1  }
0x24: {  	v3 =	vperm.xlane v3, v2;
	_ =	sdelay $0x1  }
0x25: {  	v3 =	vadd.s32 v1, v3  }
0x26: {  	[tilespmem:s11], [sflag:$0x1] =	stream.indirect_vreg.gather [hbm4b:s3+s4], $0x80, v4, vm0, $0xb8;
	[tilespmem:$0x8080] =	vst v63  }
0x27: {  	_ = 	snop  }
0x28: {  	[tilespmem:s12], [sflag:$0x1] =	stream.indirect_vreg.gather [hbm4b:s6+s4], $0x80, v4, vm0, $0xb8;
	[tilespmem:$0x8080] =	vst v63  }
0x29: {  	_ = 	snop  }
0x2a: {  	[tilespmem:s13], [sflag:$0x1] =	stream.indirect_vreg.gather [hbm4b:s3+s4], $0x80, v3, vm0, $0xb8;
	[tilespmem:$0x8080] =	vst v63  }
0x2b: {  	_ = 	snop  }
0x2c: {  	[tilespmem:s14], [sflag:$0x1] =	stream.indirect_vreg.gather [hbm4b:s6+s4], $0x80, v3, vm0, $0xb8;
	[tilespmem:$0x8080] =	vst v63  }
0x2d: {  	v3 =	vld [tilespmem:$0x10];
	_ =	sdelay $0x4  }
0x2e: {  	v61 =	vshll.u32 v3, $0x2  }
0x2f: {  	v3 =	vand.u32 $0x7, v3;
	v4 =	vand.u32 $0xFFFFFFE0, v61  }
0x30: {  	v3 =	vor.u32 v3, v4  }
0x31: {  	v4 =	vperm.xlane v3, v0;
	_ =	sdelay $0x1  }
0x32: {  	v4 =	vadd.s32 v1, v4;
	_ =	sdelay $0x1  }
0x33: {  	v3 =	vperm.xlane v3, v2;
	_ =	sdelay $0x1  }
0x34: {  	v3 =	vadd.s32 v1, v3  }
0x35: {  	[tilespmem:s15], [sflag:$0x1] =	stream.indirect_vreg.gather [hbm4b:s3+s4], $0x80, v4, vm0, $0xb8;
	[tilespmem:$0x8080] =	vst v63  }
0x36: {  	_ = 	snop  }
0x37: {  	[tilespmem:s16], [sflag:$0x1] =	stream.indirect_vreg.gather [hbm4b:s6+s4], $0x80, v4, vm0, $0xb8;
	[tilespmem:$0x8080] =	vst v63  }
0x38: {  	_ = 	snop  }
0x39: {  	[tilespmem:s17], [sflag:$0x1] =	stream.indirect_vreg.gather [hbm4b:s3+s4], $0x80, v3, vm0, $0xb8;
	[tilespmem:$0x8080] =	vst v63  }
0x3a: {  	_ = 	snop  }
0x3b: {  	[tilespmem:s18], [sflag:$0x1] =	stream.indirect_vreg.gather [hbm4b:s6+s4], $0x80, v3, vm0, $0xb8;
	[tilespmem:$0x8080] =	vst v63  }
0x3c: {  	v3 =	vld [tilespmem:$0x20];
	_ =	sdelay $0x4  }
0x3d: {  	v62 =	vshll.u32 v3, $0x2  }
0x3e: {  	v3 =	vand.u32 $0x7, v3;
	v4 =	vand.u32 $0xFFFFFFE0, v62  }
0x3f: {  	v3 =	vor.u32 v3, v4  }
0x40: {  	v4 =	vperm.xlane v3, v0;
	_ =	sdelay $0x1  }
0x41: {  	v4 =	vadd.s32 v1, v4;
	_ =	sdelay $0x1  }
0x42: {  	v3 =	vperm.xlane v3, v2;
	_ =	sdelay $0x1  }
0x43: {  	v3 =	vadd.s32 v1, v3  }
0x44: {  	[tilespmem:s19], [sflag:$0x1] =	stream.indirect_vreg.gather [hbm4b:s3+s4], $0x80, v4, vm0, $0xb8;
	[tilespmem:$0x8080] =	vst v63  }
0x45: {  	_ = 	snop  }
0x46: {  	[tilespmem:s20], [sflag:$0x1] =	stream.indirect_vreg.gather [hbm4b:s6+s4], $0x80, v4, vm0, $0xb8;
	[tilespmem:$0x8080] =	vst v63  }
0x47: {  	_ = 	snop  }
0x48: {  	[tilespmem:s21], [sflag:$0x1] =	stream.indirect_vreg.gather [hbm4b:s3+s4], $0x80, v3, vm0, $0xb8;
	[tilespmem:$0x8080] =	vst v63  }
0x49: {  	_ = 	snop  }
0x4a: {  	[tilespmem:s22], [sflag:$0x1] =	stream.indirect_vreg.gather [hbm4b:s6+s4], $0x80, v3, vm0, $0xb8;
	[tilespmem:$0x8080] =	vst v63  }
0x4b: {  	v3 =	vld [tilespmem:$0x30];
	_ =	sdelay $0x4  }
0x4c: {  	v63 =	vshll.u32 v3, $0x2  }
0x4d: {  	v3 =	vand.u32 $0x7, v3;
	v4 =	vand.u32 $0xFFFFFFE0, v63  }
0x4e: {  	v3 =	vor.u32 v3, v4  }
0x4f: {  	v4 =	vperm.xlane v3, v0;
	_ =	sdelay $0x1  }
0x50: {  	v4 =	vadd.s32 v1, v4;
	_ =	sdelay $0x1  }
0x51: {  	v3 =	vperm.xlane v3, v2;
	_ =	sdelay $0x1  }
0x52: {  	v3 =	vadd.s32 v1, v3  }
0x53: {  	[tilespmem:s23], [sflag:$0x1] =	stream.indirect_vreg.gather [hbm4b:s3+s4], $0x80, v4, vm0, $0xb8;
	[tilespmem:$0x8080] =	vst v63  }
0x54: {  	_ = 	snop  }
0x55: {  	[tilespmem:s24], [sflag:$0x1] =	stream.indirect_vreg.gather [hbm4b:s6+s4], $0x80, v4, vm0, $0xb8;
	[tilespmem:$0x8080] =	vst v63  }
0x56: {  	_ = 	snop  }
0x57: {  	[tilespmem:s25], [sflag:$0x1] =	stream.indirect_vreg.gather [hbm4b:s3+s4], $0x80, v3, vm0, $0xb8;
	[tilespmem:$0x8080] =	vst v63  }
0x58: {  	_ = 	snop  }
0x59: {  	[tilespmem:s26], [sflag:$0x1] =	stream.indirect_vreg.gather [hbm4b:s6+s4], $0x80, v3, vm0, $0xb8;
	[tilespmem:$0x8080] =	vst v63  }
0x5a: {  	s2 =	sadd.s32 $0x1, s2;
	_ =	swait.ge [sflag:s28], $0x8000  }
0x5b: {  	p0 =	slt.u32 s2, s5;
	[sflag:s28] =	ssyncset.done $0x0  }
.Ltmp1:
0x5c: {  	[sflag:s28] =	ssyncadd.s32 $0xFFFF8000;
	(pc) =	sbr.rel @p0 .LBB2_3-.Ltmp1, $4  }
0x5d: {  	[hbm4b:s31+s4] =	stream.linear.scatter [tilespmem:s11], [sflag:$0x2], $0x8000, $0x38;
	[tilespmem:$0x8080] =	vst v63  }
0x5e: {  	_ =	swait.ge [sflag:s10], $0x8000  }
0x5f: {  	[sflag:s10] =	ssyncset.done $0x0  }
0x60: {  	s30 =	sadd.s32 $0x8, s30;
	s31 =	sadd.s32 $0x1000, s31;
	[sflag:s10] =	ssyncadd.s32 $0xFFFF8000  }
0x61: {  	s29 =	sadd.s32 $0x1, s29  }
0x62: {  	p0 =	sne.s32 s29, s7  }
.Ltmp2:
0x63: {  	_ = 	snop;
	(pc) =	sbr.rel @p0 .LBB2_2-.Ltmp2, $1  }
0x64: {  	_ =	sdelay $0x3  }
.LBB2_5:
0x65: {  	_ =	sfence.sel $0x180000  }
0x66: {  	[bflag:$0x0] =	sbarrier.arrive $0xFFFF  }
0x67: {  	_ =	strace $0x9000004A  }
0x68: {  	[bflag:$0x2] =	sbarrier.arrive $0xFFFF  }
0x69: {  	p0 =	sne.s32 s0, $0x0;
	s0 =	rddreg [dreg:$0x2]  }
0x6a: {  	s0 =	sadd.s32 @!p0 $0x100000, s0  }
0x6b: {  	[sflag:s0] =	ssyncadd.tile.s32 @!p0 $0x1;
	_ =	shalt  }
.Lfunc_end2:
_tile_overlayer_lowered:
.L_overlay_start_2:
0x6c: {  	(tag) =	ssettag $0x2  }
0x6d: {  	s0 =	rddreg [dreg:$0x0];
	s2 =	stileid.u32  }
0x6e: {  	s1 =	rddreg [dreg:$0x1];
	p0 =	sne.s32 s2, $0x0  }
0x6f: {  	s3 =	rddreg [dreg:$0x2];
	[bflag:$0x3] =	sbarrier.arrive $0xFFFF;
	s2 =	simm.s32 @!p0 $0x1C02  }
0x70: {  	[timem:s3], [sflag:s2] =	dma.local @!p0 [hbm:s0], s1  }
0x71: {  	s0 =	simm.s32 @!p0 $0x2  }
0x72: {  	_ =	swait.ge @!p0 [sflag:s0], s1  }
0x73: {  	s1 =	ssub.s32 @!p0 $0x0, s1;
	[sflag:s0] =	ssyncset.done @!p0 $0x0  }
0x74: {  	[sflag:s0] =	ssyncadd.s32 @!p0 s1  }
0x75: {  	[bflag:$0x3] =	sbarrier.arrive $0xFFFF  }
0x76: {  	_ =	shalt  }

// kernel: sparse-core-data-format-call.cloned.1.call-start
scs
called_computation_lowered:
.L_overlay_start_0:
0x0: {  	s2 =	sld [smem:$0x3FD9]  }
0x1: {  	s3 =	sld [smem:$0x3FFE];
	_ =	sdelay $0x1  }
0x2: {  	s1 =	srdreg.scid  }
0x3: {  	s0 =	sand.u32 $0x1, s1  }
0x4: {  	s15 =	sshll.u32 s0, $0xA;
	s2 =	sadd.s32 s3, s2  }
0x5: {  	s2 =	sadd.s32 s2, s15  }
0x6: {  	[smem:$0x3FC1] =	sst s2  }
0x7: {  	_ = 	snop  }
0x8: {  	s2 =	sld [smem:$0x3FD0];
	_ =	sdelay $0x2  }
0x9: {  	s16 =	simm.s32 $0xA;
	s4 =	simm.s32 $0x10  }
0xa: {  	[smem:s4], [sflag:s16] =	dma.local [hbm:s2], $0x1  }
0xb: {  	_ =	swait.eq [sflag:s16], $0x1  }
0xc: {  	[sflag:s16] =	ssyncset.done $0x0  }
0xd: {  	[sflag:s16] =	ssyncadd.s32 $0xFFFFFFFF  }
0xe: {  	s17 =	sld [smem:$0x10];
	(tm) =	ssettm $0x1  }
0xf: {  	s18 =	sld [smem:$0x3FFB];
	_ =	sdelay $0x3  }
0x10: {  	_ =	strace s18  }
0x11: {  	s3 =	sld [smem:$0x3FFC];
	_ =	sdelay $0x3  }
0x12: {  	_ =	strace s3  }
0x13: {  	s3 =	sld [smem:$0x3FFD];
	_ =	sdelay $0x3  }
0x14: {  	_ =	strace s3  }
0x15: {  	_ =	strace $0x8FFFFFFF  }
0x16: {  	s19 =	sld [smem:$0x3FDB];
	_ =	sdelay $0x1  }
0x17: {  	s20 =	simm.s32 $_scs_section_size  }
0x18: {  	s5 =	simm.s32 $_size__tile_overlayer_lowered;
	s6 =	simm.s32 $_tile_overlayer_lowered  }
0x19: {  	s23 =	simm.s32 $0x1BFF;
	s22 =	sshll.u32 s6, $0x1;
	s3 =	sadd.s32 s20, s19  }
0x1a: {  	s7 =	simm.s32 $0x0;
	s21 =	sshll.u32 s5, $0x1;
	s5 =	sadd.s32 s22, s3  }
0x1b: {  	[timem:s7], [sflag:s23] =	dma.local [hbm:s5], s21  }
0x1c: {  	_ =	swait.ge [sflag:s23], s21  }
0x1d: {  	s4 =	ssub.s32 $0x0, s21;
	[sflag:s23] =	ssyncset.done $0x0  }
0x1e: {  	[sflag:s23] =	ssyncadd.s32 s4;
	_ =	sdelay $0x1  }
0x1f: {  	s24 =	simm.s32 $0x1B8B  }
0x20: {  	_ =	swait.ge [sflag:s24], $0x1  }
0x21: {  	[sflag:s24] =	ssyncset.done $0x0  }
0x22: {  	s26 =	simm.s32 $0x1B8E;
	s25 =	sld [smem:$0x3FFE];
	[sflag:s24] =	ssyncadd.s32 $0xFFFFFFFF  }
0x23: {  	s27 =	simm.s32 $execute0_lowered;
	[smem:$0x3FD2] =	sst s26  }
0x24: {  	s5 =	sshll.u32 s27, $0x1;
	_ =	strace $0x8000004C;
	[dreg:$0x1] =	wrdreg $0xFFFFFFFF  }
0x25: {  	s28 =	simm.s32 $_size_execute0_lowered;
	s3 =	sadd.s32 s3, s5;
	[dreg:$0x0] =	wrdreg $0x0  }
0x26: {  	s5 =	sshll.u32 s28, $0x1;
	[dreg:$0x2] =	wrdreg s3  }
0x27: {  	[dreg:$0x3] =	wrdreg s5  }
0x28: {  	[dreg:$0x4] =	wrdreg $0xC0  }
0x29: {  	_ =	task [dreg:s7], $0x5FFFF  }
0x2a: {  	[dreg:$0x1] =	wrdreg $0xFFFFFFFF  }
0x2b: {  	[dreg:$0x0] =	wrdreg $0x60  }
0x2c: {  	[dreg:$0x2] =	wrdreg s25  }
0x2d: {  	[dreg:$0x3] =	wrdreg s17  }
0x2e: {  	[dreg:$0x4] =	wrdreg $0x9  }
0x2f: {  	_ =	task.clear_ibuf [dreg:s7], $0x5FFFF;
	_ =	strace $0x9000004C  }
0x30: {  	s29 =	simm.s32 $0x9;
	_ =	strace $0x8000004E  }
0x31: {  	_ =	swait.ge [sflag:s29], $0x1  }
0x32: {  	[sflag:s29] =	ssyncadd.s32 $0xFFFFFFFF  }
0x33: {  	_ =	strace $0x9000004E  }
0x34: {  	_ =	sfence  }
0x35: {  	s30 =	sld [smem:$0x0];
	_ =	sdelay $0x2  }
0x36: {  	s31 =	sshll.u32 s1, $0xD;
	s1 =	sshrl.u32 s1, $0x2  }
0x37: {  	s3 =	sand.u32 $0x4000, s31;
	s1 =	sadd.s32 s1, s30  }
0x38: {  	s0 =	sor.u32 s3, s0;
	s1 =	sshll.u32 s1, $0x11  }
0x39: {  	s0 =	sor.u32 s1, s0  }
0x3a: {  	s0 =	sadd.s32 $0x8F2B, s0  }
0x3b: {  	[sflag:s0] =	ssyncadd.remote.s32 $0x1  }
0x3c: {  	_ =	sfence.sel $0xFFFF  }
0x3d: {  	[dreg:$0x0] =	wrdreg $0xFFFFFFFF;
	(pc) =	sbr.abs _section_cstart, $3  }
0x3e: {  	[dreg:$0x1] =	wrdreg $0xFFFFFFFF  }
0x3f: {  	_ =	task.clear_ibuf [dreg:s7], $0x2FFFF;
	_ =	strace $0x9FFFFFFF  }
0x40: {  	(tm) =	ssettm $0x7FFFFFFF  }
0x41: {  	_ =	shalt  }
tec
execute0_lowered:
.L_overlay_start_1:
0x0: {  	(tag) =	ssettag $0x1  }
0x1: {  	s0 =	srdreg.scid;
	s5 =	rddreg [dreg:$0x0]  }
0x2: {  	s2 =	rddreg [dreg:$0x1];
	s1 =	stileid.u32;
	s4 =	simm.s32 $0x1  }
0x3: {  	s6 =	simm.s32 $0x2;
	s8 =	simm.s32 $0x0;
	s9 =	simm.s32 $0x0  }
0x4: {  	s16 =	simm.s32 $0x0;
	s15 =	simm.s32 $0x0;
	s0 =	sshll.u32 s0, $0x4  }
0x5: {  	s10 =	simm.s32 $0x0;
	s11 =	simm.s32 $0x0;
	s3 =	sand.u32 $0x10, s0  }
.Ltmp0:
0x6: {  	s13 =	simm.s32 $0x0;
	s3 =	sor.u32 s1, s3;
	(pc) =	sbr.rel .LBB1_1-.Ltmp0, $4  }
0x7: {  	s0 =	rddreg [dreg:$0x2];
	_ =	strace $0x8000004D;
	s3 =	sshll.u32 s3, $0x3  }
0x8: {  	s14 =	simm.s32 $0x0;
	[sflag:s4] =	ssyncpa.u1 $0x0;
	s7 =	ssub.s32 $0x2CC8, s3  }
0x9: {  	s21 =	simm.s32 $0x0;
	[sflag:s6] =	ssyncpa.u1 $0x0;
	s6 =	sshrl.u32 s7, $0x8  }
0xa: {  	s5 =	sadd.s32 $0x2D2600, s5;
	s12 =	smov.u32 s3;
	s7 =	sadd.s32 $0x2, s6  }
.LBB1_7:
0xb: {  	p0 =	slt.u32 s14, $0x2  }
0xc: {  	p1 =	sgt.s32 @!p0 s16, $0x2CC4  }
0xd: {  	s17 =	smov.u32 s16;
	s18 =	sshra.s32 @!p0 s16, $0x1F;
	p1 =	por !p1, p0  }
0xe: {  	s16 =	sand.u32 @!p0 s18, s16;
	s18 =	ssub.s32 @!p0 $0x0, s15;
	s17 =	simm.s32 @p1 $0x2CC4  }
0xf: {  	s15 =	smin.u32 @!p0 s15, s18;
	s16 =	ssub.s32 @!p0 s17, s16  }
0x10: {  	s19 =	smov.u32 s13;
	p2 =	sgt.s32 @!p0 s15, $0x3;
	s17 =	sadd.s32 @!p0 $0xFFFFD33C, s16  }
0x11: {  	s15 =	sshll.u32 @!p0 s15, $0x9;
	s16 =	ssub.s32 @!p0 $0x2CCC, s16;
	p1 =	sgt.s32 @!p0 s17, $0x7  }
0x12: {  	s15 =	ssub.s32 @!p0 $0x800, s15;
	p2 =	por !p2, p0;
	p1 =	por !p1, p0  }
0x13: {  	s15 =	simm.s32 @!p2 $0x0;
	s17 =	sadd.s32 $0x100, s12;
	s16 =	simm.s32 @!p1 $0x0  }
0x14: {  	p1 =	sgt.s32 s17, $0x2CCB;
	s15 =	smul.u32 @!p0 s16, s15;
	s16 =	sadd.s32 $0x4, s13  }
0x15: {  	s19 =	smov.u32 @p1 s16  }
0x16: {  	s17 =	smov.u32 @p1 s3;
	p1 =	sgt.s32 s19, $0x3  }
0x17: {  	s19 =	simm.s32 @p1 $0x0;
	p1 =	sne.s32 s14, s7  }
.Ltmp1:
0x18: {  	s9 =	sadd.s32 $0x4000, s9;
	s18 =	simm.s32 @!p0 $0x2;
	(pc) =	sbr.rel @!p1 .LBB1_8-.Ltmp1, $4  }
0x19: {  	s16 =	smov.u32 s10;
	s10 =	smov.u32 s12;
	s15 =	sand.u32 @!p0 $0x3FFFFE00, s15  }
0x1a: {  	s12 =	smov.u32 s17;
	_ =	swait.ge @!p0 [sflag:s18], s15;
	s20 =	ssub.s32 @!p0 $0x0, s15  }
0x1b: {  	s15 =	smov.u32 s11;
	s14 =	sadd.s32 $0x1, s14;
	[sflag:s18] =	ssyncset.done @!p0 $0x0  }
0x1c: {  	s11 =	smov.u32 s13;
	s13 =	smov.u32 s19;
	[sflag:s18] =	ssyncadd.s32 @!p0 s20  }
.LBB1_1:
0x1d: {  	p0 =	sgt.u32 s14, s6  }
0x1e: {  	s17 =	sshll.u32 @!p0 s12, $0x9;
	s18 =	sshll.u32 @!p0 s12, $0x7  }
0x1f: {  	s17 =	sand.u32 @!p0 $0xFFFFF000, s17;
	s18 =	sand.u32 @!p0 $0x200, s18  }
0x20: {  	s17 =	sor.u32 @!p0 s18, s17  }
0x21: {  	s17 =	sshrl.u32 @!p0 s17, $0x9  }
0x22: {  	s18 =	smulhi.u32 @!p0 $0x5B673, s17;
	_ =	sdelay $0x1  }
0x23: {  	s18 =	smul.u32 @!p0 $0x2CD0, s18  }
0x24: {  	s19 =	smul.u32 @!p0 $0xB3400, s13  }
0x25: {  	s20 =	sxor.u32 @!p0 $0xFFFFFFFF, s14;
	s17 =	ssub.s32 @!p0 s17, s18;
	s18 =	sshll.u32 @!p0 s12, $0x4  }
0x26: {  	s20 =	sshll.u32 @!p0 s20, $0xE;
	s19 =	sadd.s32 @!p0 s5, s19;
	s18 =	sand.u32 @!p0 $0x30, s18  }
0x27: {  	s20 =	sand.u32 @!p0 $0x4000, s20;
	s17 =	sshll.u32 @!p0 s17, $0x6;
	s18 =	sadd.s32 @!p0 s18, s19  }
0x28: {  	s19 =	simm.s32 @!p0 $0x59A000;
	s17 =	sadd.s32 @!p0 s17, s18;
	s18 =	simm.s32 @!p0 $0x1000  }
0x29: {  	[tilespmem:s20], [sflag:$0x1] =	stream.strided.gather @!p0 [hbm4b:s17+s18], $0x4000, s19, s18, $0x38;
	[tilespmem:$0x10000] =	vst v63  }
0x2a: {  	p0 =	seq.s32 s14, $0x0  }
0x2b: {  	p1 =	sge.u32 @!p0 s14, s7  }
0x2c: {  	p0 =	por p0, p1  }
.Ltmp2:
0x2d: {  	_ = 	snop;
	(pc) =	sbr.rel @p0 .LBB1_7-.Ltmp2, $1  }
0x2e: {  	_ =	sdelay $0x3  }
0x2f: {  	s17 =	sand.u32 $0x4000, s9  }
0x30: {  	_ =	swait.ge [sflag:s4], $0x4000;
	s20 =	sshll.u32 s14, $0xE;
	s22 =	simm.s32 $0x0  }
0x31: {  	s18 =	sor.u32 $0x8400, s17;
	[sflag:s4] =	ssyncset.done $0x0;
	s20 =	sand.u32 $0x4000, s20  }
0x32: {  	s19 =	sor.u32 $0x810, s17;
	[sflag:s4] =	ssyncadd.s32 $0xFFFFC000;
	s17 =	sor.u32 $0x8000, s20  }
.LBB1_3:
0x33: {  	v4 =	vld [tilespmem:s19+$0xFFFFF7F0]  }
0x34: {  	v5 =	vld [tilespmem:s19+$0xFFFFF800]  }
0x35: {  	s23 =	sshll.u32 s22, $0xC;
	v6 =	vld [tilespmem:s19+$0xFFFFF810]  }
0x36: {  	v0 =	vmov s23  }
0x37: {  	v7 =	vld [tilespmem:s19+$0xFFFFF820]  }
0x38: {  	s31 =	sand.u32 $0x200, s21;
	[tilespmem:s18+$0xFFFFFC00] =	vst v4;
	v4 =	vld [tilespmem:s19+$0xFFFFF860]  }
0x39: {  	s24 =	sand.u32 $0x180, s21;
	s23 =	sadd.s32 s31, s20;
	[tilespmem:s18+$0xFFFFFC10] =	vst v5;
	v5 =	vld [tilespmem:s19+$0xFFFFFC00]  }
0x3a: {  	s23 =	sadd.s32 s24, s23;
	[tilespmem:s18+$0xFFFFFC20] =	vst v6;
	v6 =	vld [tilespmem:s19+$0xFFFFFC10]  }
0x3b: {  	v1 =	vld.idx.msk [tilespmem:v0+s23+$0xC00 ss:$0x1], $0xffff  }
0x3c: {  	v2 =	vld.idx.msk [tilespmem:v0+s23+$0x400 ss:$0x1], $0xffff  }
0x3d: {  	[tilespmem:s18+$0xFFFFFC30] =	vst v7;
	v3 =	vld.idx.msk [tilespmem:v0+s23+$0x800 ss:$0x1], $0xffff  }
0x3e: {  	v7 =	vld [tilespmem:s19+$0x40];
	[tilespmem:s18+$0xFFFFFC70] =	vst v4  }
0x3f: {  	v4 =	vld [tilespmem:s19+$0xFFFFFC50];
	[tilespmem:s18+$0xFFFFFE10] =	vst v5  }
0x40: {  	[tilespmem:s18+$0x200] =	vst v1;
	v1 =	vld [tilespmem:s19+$0xFFFFF830]  }
0x41: {  	[tilespmem:s18+$0xFFFFFE00] =	vst v2;
	v2 =	vld [tilespmem:s19+$0xFFFFF840]  }
0x42: {  	[tilespmem:s18+$0x0] =	vst v3;
	v3 =	vld [tilespmem:s19+$0xFFFFF850]  }
0x43: {  	v5 =	vld [tilespmem:s19+$0xFFFFFC60];
	[tilespmem:s18+$0xFFFFFE20] =	vst v6  }
0x44: {  	v6 =	vld [tilespmem:s19+$0x0];
	[tilespmem:s18+$0x50] =	vst v7  }
0x45: {  	[tilespmem:s18+$0xFFFFFC40] =	vst v1;
	v1 =	vld [tilespmem:s19+$0xFFFFFC20]  }
0x46: {  	[tilespmem:s18+$0xFFFFFC50] =	vst v2;
	v2 =	vld [tilespmem:s19+$0xFFFFFC30]  }
0x47: {  	[tilespmem:s18+$0xFFFFFC60] =	vst v3;
	v3 =	vld [tilespmem:s19+$0xFFFFFC40]  }
0x48: {  	[tilespmem:s18+$0xFFFFFE70] =	vst v5;
	v5 =	vld [tilespmem:s19+$0x50]  }
0x49: {  	[tilespmem:s18+$0x10] =	vst v6;
	v6 =	vld [tilespmem:s19+$0x60]  }
0x4a: {  	[tilespmem:s18+$0xFFFFFE30] =	vst v1;
	v1 =	vld [tilespmem:s19+$0x10]  }
0x4b: {  	[tilespmem:s18+$0xFFFFFE40] =	vst v2;
	v2 =	vld [tilespmem:s19+$0x20]  }
0x4c: {  	[tilespmem:s18+$0xFFFFFE50] =	vst v3;
	v3 =	vld [tilespmem:s19+$0x30]  }
0x4d: {  	[tilespmem:s18+$0xFFFFFE60] =	vst v4;
	v4 =	vld [tilespmem:s19+$0x400]  }
0x4e: {  	[tilespmem:s18+$0x60] =	vst v5;
	v5 =	vld [tilespmem:s19+$0x440]  }
0x4f: {  	[tilespmem:s18+$0x20] =	vst v1;
	v1 =	vld [tilespmem:s19+$0x410]  }
0x50: {  	s26 =	simm.s32 $0x80;
	s25 =	simm.s32 $0x100;
	[tilespmem:s18+$0x30] =	vst v2;
	v2 =	vld [tilespmem:s19+$0x420]  }
0x51: {  	s27 =	sand.u32 $0x200, s26;
	s24 =	smov.u32 s19;
	s23 =	smov.u32 s18;
	[tilespmem:s18+$0x40] =	vst v3;
	v3 =	vld [tilespmem:s19+$0x430]  }
.LBB1_4:
0x52: {  	p0 =	sne.s32 s25, $0x380;
	s26 =	sand.u32 $0x180, s26;
	s27 =	sadd.s32 s27, s20;
	[tilespmem:s23+$0x70] =	vst v6;
	v6 =	vld [tilespmem:s24+$0x450]  }
0x53: {  	s27 =	sadd.s32 s26, s27;
	[tilespmem:s23+$0x210] =	vst v4;
	v4 =	vld [tilespmem:s24+$0x460];
	s26 =	smov.u32 s25  }
0x54: {  	v7 =	vld.idx.msk [tilespmem:v0+s27+$0xC00 ss:$0x1], $0xffff;
	[tilespmem:s23+$0x220] =	vst v1  }
0x55: {  	v1 =	vld.idx.msk [tilespmem:v0+s27+$0x400 ss:$0x1], $0xffff;
	[tilespmem:s23+$0x230] =	vst v2  }
0x56: {  	s24 =	sadd.s32 $0x80, s24;
	v2 =	vld.idx.msk [tilespmem:v0+s27+$0x800 ss:$0x1], $0xffff;
	[tilespmem:s23+$0x240] =	vst v3  }
0x57: {  	v3 =	vld [tilespmem:s24+$0xFFFFF7F0];
	[tilespmem:s23+$0x250] =	vst v5  }
0x58: {  	v5 =	vld [tilespmem:s24+$0xFFFFF800];
	[tilespmem:s23+$0x260] =	vst v6  }
0x59: {  	v6 =	vld [tilespmem:s24+$0xFFFFF810];
	[tilespmem:s23+$0x270] =	vst v4;
	s23 =	sadd.s32 $0x800, s23  }
0x5a: {  	v4 =	vld [tilespmem:s24+$0xFFFFF820];
	[tilespmem:s23+$0x200] =	vst v7  }
0x5b: {  	v7 =	vld [tilespmem:s24+$0xFFFFF830];
	[tilespmem:s23+$0xFFFFFE00] =	vst v1  }
0x5c: {  	v1 =	vld [tilespmem:s24+$0xFFFFF840];
	[tilespmem:s23+$0x0] =	vst v2  }
0x5d: {  	[tilespmem:s23+$0xFFFFFC00] =	vst v3;
	v2 =	vld [tilespmem:s24+$0xFFFFF850]  }
0x5e: {  	[tilespmem:s23+$0xFFFFFC10] =	vst v5;
	v3 =	vld [tilespmem:s24+$0xFFFFF860]  }
0x5f: {  	[tilespmem:s23+$0xFFFFFC20] =	vst v6;
	v5 =	vld [tilespmem:s24+$0xFFFFFC00]  }
0x60: {  	[tilespmem:s23+$0xFFFFFC30] =	vst v4;
	v4 =	vld [tilespmem:s24+$0xFFFFFC10]  }
0x61: {  	[tilespmem:s23+$0xFFFFFC40] =	vst v7;
	v6 =	vld [tilespmem:s24+$0xFFFFFC20]  }
0x62: {  	[tilespmem:s23+$0xFFFFFC50] =	vst v1;
	v1 =	vld [tilespmem:s24+$0xFFFFFC30]  }
0x63: {  	[tilespmem:s23+$0xFFFFFC60] =	vst v2;
	v2 =	vld [tilespmem:s24+$0xFFFFFC40]  }
0x64: {  	[tilespmem:s23+$0xFFFFFC70] =	vst v3;
	v3 =	vld [tilespmem:s24+$0xFFFFFC50]  }
0x65: {  	[tilespmem:s23+$0xFFFFFE10] =	vst v5;
	v5 =	vld [tilespmem:s24+$0xFFFFFC60]  }
0x66: {  	[tilespmem:s23+$0xFFFFFE20] =	vst v4;
	v4 =	vld [tilespmem:s24+$0x0]  }
0x67: {  	[tilespmem:s23+$0xFFFFFE30] =	vst v6;
	v7 =	vld [tilespmem:s24+$0x10]  }
0x68: {  	[tilespmem:s23+$0xFFFFFE40] =	vst v1;
	v1 =	vld [tilespmem:s24+$0x20]  }
0x69: {  	[tilespmem:s23+$0xFFFFFE50] =	vst v2;
	v2 =	vld [tilespmem:s24+$0x30]  }
0x6a: {  	[tilespmem:s23+$0xFFFFFE60] =	vst v3;
	v3 =	vld [tilespmem:s24+$0x40]  }
0x6b: {  	[tilespmem:s23+$0xFFFFFE70] =	vst v5;
	v5 =	vld [tilespmem:s24+$0x50]  }
0x6c: {  	[tilespmem:s23+$0x10] =	vst v4;
	v6 =	vld [tilespmem:s24+$0x60]  }
.Ltmp3:
0x6d: {  	[tilespmem:s23+$0x20] =	vst v7;
	v4 =	vld [tilespmem:s24+$0x400];
	(pc) =	sbr.rel @p0 .LBB1_4-.Ltmp3, $4  }
0x6e: {  	[tilespmem:s23+$0x30] =	vst v1;
	v1 =	vld [tilespmem:s24+$0x410]  }
0x6f: {  	[tilespmem:s23+$0x40] =	vst v2;
	v2 =	vld [tilespmem:s24+$0x420]  }
0x70: {  	[tilespmem:s23+$0x50] =	vst v3;
	v3 =	vld [tilespmem:s24+$0x430]  }
0x71: {  	s25 =	sadd.s32 $0x80, s25;
	s27 =	sand.u32 $0x200, s26;
	[tilespmem:s23+$0x60] =	vst v5;
	v5 =	vld [tilespmem:s24+$0x440]  }
0x72: {  	[tilespmem:s23+$0x70] =	vst v6  }
0x73: {  	v30 =	vld [tilespmem:s24+$0x450];
	[tilespmem:s23+$0x210] =	vst v4  }
0x74: {  	v31 =	vld [tilespmem:s24+$0x460];
	s30 =	sadd.s32 $0x80, s24;
	[tilespmem:s23+$0x220] =	vst v1  }
0x75: {  	v35 =	vld [tilespmem:s30+$0xFFFFF7F0];
	[tilespmem:s23+$0x230] =	vst v2  }
0x76: {  	v36 =	vld [tilespmem:s30+$0xFFFFF800];
	[tilespmem:s23+$0x240] =	vst v3  }
0x77: {  	v37 =	vld [tilespmem:s30+$0xFFFFF810];
	[tilespmem:s23+$0x250] =	vst v5  }
0x78: {  	v38 =	vld [tilespmem:s30+$0xFFFFF820];
	[tilespmem:s23+$0x260] =	vst v30  }
0x79: {  	s31 =	sadd.s32 $0x800, s23;
	v39 =	vld [tilespmem:s30+$0xFFFFF830];
	[tilespmem:s23+$0x270] =	vst v31  }
0x7a: {  	v40 =	vld [tilespmem:s30+$0xFFFFF840];
	[tilespmem:s31+$0xFFFFFC00] =	vst v35  }
0x7b: {  	v41 =	vld [tilespmem:s30+$0xFFFFF850];
	[tilespmem:s31+$0xFFFFFC10] =	vst v36  }
0x7c: {  	v42 =	vld [tilespmem:s30+$0xFFFFF860];
	[tilespmem:s31+$0xFFFFFC20] =	vst v37  }
0x7d: {  	v43 =	vld [tilespmem:s30+$0xFFFFFC00];
	[tilespmem:s31+$0xFFFFFC30] =	vst v38  }
0x7e: {  	v44 =	vld [tilespmem:s30+$0xFFFFFC10];
	[tilespmem:s31+$0xFFFFFC40] =	vst v39  }
0x7f: {  	v45 =	vld [tilespmem:s30+$0xFFFFFC20];
	[tilespmem:s31+$0xFFFFFC50] =	vst v40  }
0x80: {  	v46 =	vld [tilespmem:s30+$0xFFFFFC30];
	[tilespmem:s31+$0xFFFFFC60] =	vst v41  }
0x81: {  	v47 =	vld [tilespmem:s30+$0xFFFFFC40];
	[tilespmem:s31+$0xFFFFFC70] =	vst v42  }
0x82: {  	v48 =	vld [tilespmem:s30+$0xFFFFFC50];
	[tilespmem:s31+$0xFFFFFE10] =	vst v43  }
0x83: {  	v49 =	vld [tilespmem:s30+$0xFFFFFC60];
	[tilespmem:s31+$0xFFFFFE20] =	vst v44  }
0x84: {  	v50 =	vld [tilespmem:s30+$0x0];
	[tilespmem:s31+$0xFFFFFE30] =	vst v45  }
0x85: {  	v51 =	vld [tilespmem:s30+$0x10];
	[tilespmem:s31+$0xFFFFFE40] =	vst v46  }
0x86: {  	v52 =	vld [tilespmem:s30+$0x20];
	[tilespmem:s31+$0xFFFFFE50] =	vst v47  }
0x87: {  	v53 =	vld [tilespmem:s30+$0x30];
	[tilespmem:s31+$0xFFFFFE60] =	vst v48  }
0x88: {  	v54 =	vld [tilespmem:s30+$0x40];
	[tilespmem:s31+$0xFFFFFE70] =	vst v49  }
0x89: {  	v55 =	vld [tilespmem:s30+$0x50];
	[tilespmem:s31+$0x10] =	vst v50  }
0x8a: {  	v56 =	vld [tilespmem:s30+$0x60];
	[tilespmem:s31+$0x20] =	vst v51  }
0x8b: {  	v57 =	vld [tilespmem:s30+$0x400];
	[tilespmem:s31+$0x30] =	vst v52  }
0x8c: {  	v58 =	vld [tilespmem:s30+$0x410];
	[tilespmem:s31+$0x40] =	vst v53  }
0x8d: {  	v59 =	vld [tilespmem:s30+$0x420];
	[tilespmem:s31+$0x50] =	vst v54  }
0x8e: {  	v60 =	vld [tilespmem:s30+$0x430];
	[tilespmem:s31+$0x60] =	vst v55  }
0x8f: {  	v61 =	vld [tilespmem:s30+$0x440];
	[tilespmem:s31+$0x70] =	vst v56  }
0x90: {  	s25 =	sand.u32 $0x180, s26;
	s29 =	sadd.s32 s27, s20;
	v62 =	vld [tilespmem:s30+$0x450];
	[tilespmem:s31+$0x210] =	vst v57  }
0x91: {  	s25 =	sadd.s32 s25, s29;
	v63 =	vld [tilespmem:s30+$0x460];
	[tilespmem:s31+$0x220] =	vst v58  }
0x92: {  	v32 =	vld.idx.msk [tilespmem:v0+s25+$0xC00 ss:$0x1], $0xffff;
	[tilespmem:s31+$0x230] =	vst v59  }
0x93: {  	s22 =	sadd.s32 $0x1, s22;
	v33 =	vld.idx.msk [tilespmem:v0+s25+$0x400 ss:$0x1], $0xffff;
	[tilespmem:s31+$0x240] =	vst v60  }
0x94: {  	p0 =	sne.s32 s22, $0x4;
	v34 =	vld.idx.msk [tilespmem:v0+s25+$0x800 ss:$0x1], $0xffff;
	[tilespmem:s31+$0x250] =	vst v61  }
.Ltmp4:
0x95: {  	[tilespmem:s31+$0x260] =	vst v62;
	(pc) =	sbr.rel @p0 .LBB1_3-.Ltmp4, $4  }
0x96: {  	[tilespmem:s31+$0x270] =	vst v63  }
0x97: {  	[tilespmem:s31+$0x200] =	vst v32  }
0x98: {  	[tilespmem:s31+$0xFFFFFE00] =	vst v33  }
0x99: {  	s18 =	sadd.s32 $0x80, s18;
	s19 =	sadd.s32 $0x1000, s19;
	[tilespmem:s31+$0x0] =	vst v34  }
0x9a: {  	p0 =	sgt.s32 s10, $0x2CC4;
	s18 =	smov.u32 s10;
	s19 =	sshra.s32 s10, $0x1F  }
0x9b: {  	s27 =	ssub.s32 $0x0, s11;
	s18 =	simm.s32 @!p0 $0x2CC4;
	s19 =	sand.u32 s19, s10  }
0x9c: {  	s29 =	sshll.u32 s11, $0x4;
	s18 =	ssub.s32 s18, s19;
	s19 =	smin.u32 s11, s27  }
0x9d: {  	s20 =	sadd.s32 $0xFFFFD33C, s18;
	s28 =	sshll.u32 s19, $0x9;
	s18 =	ssub.s32 $0x2CCC, s18  }
0x9e: {  	p1 =	sgt.s32 s19, $0x3;
	p0 =	sgt.s32 s20, $0x7;
	s19 =	ssub.s32 $0x800, s28  }
.Ltmp5:
0x9f: {  	s18 =	simm.s32 @p0 $0x0;
	s19 =	simm.s32 @p1 $0x0;
	(pc) =	sbr.rel .LBB1_7-.Ltmp5, $4  }
0xa0: {  	s30 =	sand.u32 $0x30, s29;
	s18 =	smul.u32 s18, s19  }
0xa1: {  	s31 =	sshll.u32 s10, $0x8;
	s19 =	sadd.s32 s2, s30  }
0xa2: {  	s19 =	sadd.s32 s31, s19;
	s18 =	sand.u32 $0x3FFFFE00, s18  }
0xa3: {  	[hbm4b:s19+s8] =	stream.linear.scatter [tilespmem:s17], [sflag:$0x2], s18, $0x38;
	[tilespmem:$0x10000] =	vst v63  }
.LBB1_8:
0xa4: {  	_ =	sfence.sel $0x180000  }
0xa5: {  	s2 =	simm.s32 $0x1;
	[bflag:$0x0] =	sbarrier.arrive $0xFFFF  }
0xa6: {  	s31 =	simm.s32 $0x2;
	[sflag:s2] =	ssyncpa.u1 $0x1  }
0xa7: {  	[sflag:s31] =	ssyncpa.u1 $0x1  }
0xa8: {  	p0 =	sne.s32 s1, $0x0;
	_ =	strace $0x9000004D  }
0xa9: {  	s0 =	sadd.s32 @!p0 $0x100000, s0;
	[bflag:$0x2] =	sbarrier.arrive $0xFFFF  }
0xaa: {  	[sflag:s0] =	ssyncadd.tile.s32 @!p0 $0x1;
	_ =	shalt  }
.Lfunc_end1:
_tile_overlayer_lowered:
.L_overlay_start_2:
0xab: {  	(tag) =	ssettag $0x2  }
0xac: {  	s0 =	rddreg [dreg:$0x0];
	s2 =	stileid.u32  }
0xad: {  	s1 =	rddreg [dreg:$0x1];
	p0 =	sne.s32 s2, $0x0  }
0xae: {  	s3 =	rddreg [dreg:$0x2];
	[bflag:$0x3] =	sbarrier.arrive $0xFFFF;
	s2 =	simm.s32 @!p0 $0x1C01  }
0xaf: {  	[timem:s3], [sflag:s2] =	dma.local @!p0 [hbm:s0], s1  }
0xb0: {  	s0 =	simm.s32 @!p0 $0x1  }
0xb1: {  	_ =	swait.ge @!p0 [sflag:s0], s1  }
0xb2: {  	s1 =	ssub.s32 @!p0 $0x0, s1;
	[sflag:s0] =	ssyncset.done @!p0 $0x0  }
0xb3: {  	[sflag:s0] =	ssyncadd.s32 @!p0 s1  }
0xb4: {  	[bflag:$0x3] =	sbarrier.arrive $0xFFFF  }
0xb5: {  	_ =	shalt  }

</sc_bundles>
